<compile_context>
chip_gen: v7x
topology: tpu7x:2x2x1
jax: 0.10.2.dev20260603
libtpu: 0.0.44.dev20260713+nightly
codegen_flags: <defaults>
</compile_context>

<pallas_src>
import functools

import jax
import jax.numpy as jnp
from jax import lax
from jax.experimental import pallas as pl
from jax.experimental.pallas import tpu as pltpu
from jax.experimental.pallas import tpu_sc as plsc

_NC = 2
_NS = 16
_NW = _NC * _NS
_CH = 128


def _sc_gather(table128, idx1):
    BL, = idx1.shape
    V, DP = table128.shape
    per_w = BL // _NW
    nch = per_w // _CH
    assert per_w % _CH == 0 and nch >= 4
    mesh = plsc.VectorSubcoreMesh(core_axis_name="c", subcore_axis_name="s")

    @functools.partial(
        pl.kernel,
        mesh=mesh,
        compiler_params=pltpu.CompilerParams(use_tc_tiling_on_sc=False),
        out_type=jax.ShapeDtypeStruct((BL, DP), jnp.float32),
        scratch_types=[
            pltpu.VMEM((per_w,), jnp.int32),
            pltpu.VMEM((_CH, DP), jnp.float32),
            pltpu.VMEM((_CH, DP), jnp.float32),
            pltpu.VMEM((_CH, DP), jnp.float32),
            pltpu.VMEM((_CH, DP), jnp.float32),
            pltpu.SemaphoreType.DMA,
            pltpu.SemaphoreType.DMA,
            pltpu.SemaphoreType.DMA,
            pltpu.SemaphoreType.DMA,
        ],
    )
    def gather_kernel(table_hbm, idx_hbm, out_hbm, idx_v,
                      buf0, buf1, buf2, buf3, sem0, sem1, sem2, sem3):
        wid = lax.axis_index("s") * _NC + lax.axis_index("c")
        base = wid * per_w
        pltpu.sync_copy(idx_hbm.at[pl.ds(base, per_w)], idx_v)
        bufs = (buf0, buf1, buf2, buf3)
        sems = (sem0, sem1, sem2, sem3)
        nb = 4

        def gather_start(c, b):
            pltpu.make_async_copy(
                table_hbm.at[idx_v.at[pl.ds(c * _CH, _CH)]],
                bufs[b], sems[b]).start()

        def gather_wait_and_flush(c, b):
            pltpu.make_async_copy(
                table_hbm.at[idx_v.at[pl.ds(c * _CH, _CH)]],
                bufs[b], sems[b]).wait()
            pltpu.sync_copy(bufs[b], out_hbm.at[pl.ds(base + c * _CH, _CH)])

        for b in range(nb):
            gather_start(b, b)

        ngroups = max(0, -(-(nch - nb) // nb))

        def body(g, carry):
            c = g * nb
            for b in range(nb):
                gather_wait_and_flush(c + b, b)

                @pl.when(c + b + nb < nch)
                def _():
                    gather_start(c + b + nb, b)
            return carry

        lax.fori_loop(0, ngroups, body, 0)
        for c in range(ngroups * nb, nch):
            gather_wait_and_flush(c, c % nb)

    return gather_kernel(table128, idx1)


def _mlp_body(g_ref, r_ref, r2e_ref, w1t_ref, b1_ref, w2t_ref, b2_ref,
              out_ref, a_ref, bm_ref, of_ref, ms_ref, *, bb, L, D, NR):
    rows = bb * L
    nr = rows // 128

    @pl.when(pl.program_id(0) == 0)
    def _init():
        ja = lax.broadcasted_iota(jnp.int32, (rows, nr), 0) >> 7
        a_ref[...] = (ja == lax.broadcasted_iota(
            jnp.int32, (rows, nr), 1)).astype(jnp.bfloat16)
        jb = lax.broadcasted_iota(jnp.int32, (rows, 128), 0) & 127
        bm_ref[...] = (jb == lax.broadcasted_iota(
            jnp.int32, (rows, 128), 1)).astype(jnp.float32)
        of_ref[...] = lax.broadcasted_iota(
            jnp.int32, (rows, 8), 1).astype(jnp.float32)
        ju = lax.broadcasted_iota(jnp.int32, (bb, rows), 1) // L
        ms_ref[...] = (ju == lax.broadcasted_iota(
            jnp.int32, (bb, rows), 0)).astype(jnp.bfloat16)

    radj = r_ref[0] - 1
    radj = jnp.where(radj < 0, radj + NR, radj).astype(jnp.bfloat16)
    Y1 = jnp.dot(a_ref[...], radj, preferred_element_type=jnp.float32)
    y = jnp.sum(Y1 * bm_ref[...], axis=1, keepdims=True)
    oh = (y == of_ref[...]).astype(jnp.float32)
    g = g_ref[...][:, :D]
    w1t = w1t_ref[...]
    tr = jnp.dot(r2e_ref[...], w1t[D:, :],
                 preferred_element_type=jnp.float32)
    tr = tr + b1_ref[...]
    h = jnp.dot(g, w1t[:D, :], preferred_element_type=jnp.float32)
    h = h + jnp.dot(oh, tr, preferred_element_type=jnp.float32)
    h = jnp.maximum(h, 0.0)
    h = jnp.dot(h, w2t_ref[...], preferred_element_type=jnp.float32)
    h = jnp.maximum(h + b2_ref[...], 0.0)
    out_ref[...] = jnp.dot(ms_ref[...], h.astype(jnp.bfloat16),
                           preferred_element_type=jnp.float32) * (1.0 / L)


def _mlp_call(g, r3, r2e_pad, w1t, b1r, w2t, b2r, *, bb, L, D, NR):
    Bc = r3.shape[0] * bb
    rows = bb * L
    return pl.pallas_call(
        functools.partial(_mlp_body, bb=bb, L=L, D=D, NR=NR),
        grid=(Bc // bb,),
        in_specs=[
            pl.BlockSpec((rows, 128), lambda i: (i, 0)),
            pl.BlockSpec((1, rows // 128, 128), lambda i: (i, 0, 0)),
            pl.BlockSpec((8, D), lambda i: (0, 0)),
            pl.BlockSpec((2 * D, D), lambda i: (0, 0)),
            pl.BlockSpec((1, D), lambda i: (0, 0)),
            pl.BlockSpec((D, D), lambda i: (0, 0)),
            pl.BlockSpec((1, D), lambda i: (0, 0)),
        ],
        out_specs=pl.BlockSpec((bb, D), lambda i: (i, 0)),
        out_shape=jax.ShapeDtypeStruct((Bc, D), jnp.float32),
        scratch_shapes=[
            pltpu.VMEM((rows, rows // 128), jnp.bfloat16),
            pltpu.VMEM((rows, 128), jnp.float32),
            pltpu.VMEM((rows, 8), jnp.float32),
            pltpu.VMEM((bb, rows), jnp.bfloat16),
        ],
    )(g, r3, r2e_pad, w1t, b1r, w2t, b2r)


def kernel(history_uv, history_r, v2e_w, r2e_w, W1, b1, W2, b2):
    B, L = history_uv.shape
    V, D = v2e_w.shape
    NR = r2e_w.shape[0]
    BL = B * L
    bb = 128
    rows = bb * L
    NCHUNK = 2

    table128 = jnp.pad(v2e_w, ((0, 0), (0, 128 - D)))
    idx3 = history_uv.reshape(NCHUNK, BL // NCHUNK).astype(jnp.int32)
    r4 = history_r.reshape(
        NCHUNK, B // bb // NCHUNK, rows // 128, 128).astype(jnp.int32)
    r2e_pad = jnp.pad(r2e_w, ((0, 8 - NR), (0, 0)))
    w1t = W1.T
    w2t = W2.T
    b1r = b1.reshape(1, D)
    b2r = b2.reshape(1, D)

    outs = []
    for k in range(NCHUNK):
        g_k = _sc_gather(table128, idx3[k])
        outs.append(_mlp_call(g_k, r4[k], r2e_pad, w1t, b1r, w2t, b2r,
                              bb=bb, L=L, D=D, NR=NR))
    return jnp.concatenate(outs, axis=0)

# --- scband reference (transcript-rebuilt; emitter-appended) ---
"""Pipeline reference for scband-uv-aggregator-13168369729713 (READ-ONLY COPY).

The authoritative reference and input builder live on the scoring server;
editing this copy changes nothing except your own understanding.
"""

import jax, jax.numpy as jnp
import numpy as np

B, L, D = 4096, 50, 64
V_ITEMS, V_RATINGS = 100000, 5


def setup_inputs(seed: int = 0) -> dict:
    key = jax.random.key(seed)
    ks = jax.random.split(key, 8)
    history_uv = jax.random.randint(ks[0], (B, L), 0, V_ITEMS)
    history_r = jax.random.randint(ks[1], (B, L), 0, V_RATINGS)
    v2e_w = jax.random.normal(ks[2], (V_ITEMS, D), dtype=jnp.float32)
    r2e_w = jax.random.normal(ks[3], (V_RATINGS, D), dtype=jnp.float32)
    s1 = 1.0 / np.sqrt(2 * D)
    W1 = jax.random.uniform(ks[4], (D, 2 * D), minval=-s1, maxval=s1, dtype=jnp.float32)
    b1 = jax.random.uniform(ks[5], (D,), minval=-s1, maxval=s1, dtype=jnp.float32)
    s2 = 1.0 / np.sqrt(D)
    W2 = jax.random.uniform(ks[6], (D, D), minval=-s2, maxval=s2, dtype=jnp.float32)
    b2 = jax.random.uniform(ks[7], (D,), minval=-s2, maxval=s2, dtype=jnp.float32)
    return {"history_uv": history_uv, "history_r": history_r,
            "v2e_w": v2e_w, "r2e_w": r2e_w,
            "W1": W1, "b1": b1, "W2": W2, "b2": b2}


def reference(history_uv, history_r, v2e_w, r2e_w, W1, b1, W2, b2):
    # Vectorized translation of UV_Aggregator.forward (uv=True):
    # per user i: gather item embeds, gather rating embeds (label - 1),
    # concat, relu(Linear 2D->D), relu(Linear D->D), mean over history.
    e_uv = jnp.take(v2e_w, history_uv, axis=0)            # [B, L, D]
    r_idx = history_r - 1
    # torch wraps negative indices; replicate explicitly
    r_idx = jnp.where(r_idx < 0, r_idx + V_RATINGS, r_idx)
    e_r = jnp.take(r2e_w, r_idx, axis=0)                  # [B, L, D]
    x = jnp.concatenate([e_uv, e_r], axis=-1)             # [B, L, 2D]
    x = jax.nn.relu(jnp.einsum('bld,od->blo', x, W1) + b1)
    o = jax.nn.relu(jnp.einsum('bld,od->blo', x, W2) + b2)
    to_feats = jnp.mean(o, axis=1)                        # [B, D]
    return to_feats

if __name__ == "__main__":
    import jax
    _d = setup_inputs()
    print(jax.jit(kernel)(*tuple(_d.values())))

</pallas_src>

<mosaic_0001>
#map = affine_map<(d0, d1) -> (0, 0)>
#map1 = affine_map<(d0, d1) -> (0)>
module attributes {stable_mosaic.version = 14 : i64} {
  func.func @gather_kernel(%arg0: i32, %arg1: i32, %arg2: memref<100000x128xf32, #tpu.memory_space<hbm>>, %arg3: memref<102400xi32, #tpu.memory_space<hbm>>, %arg4: memref<102400x128xf32, #tpu.memory_space<hbm>>, %arg5: memref<3200xi32, #tpu.memory_space<vmem>>, %arg6: memref<128x128xf32, #tpu.memory_space<vmem>>, %arg7: memref<128x128xf32, #tpu.memory_space<vmem>>, %arg8: memref<128x128xf32, #tpu.memory_space<vmem>>, %arg9: memref<128x128xf32, #tpu.memory_space<vmem>>, %arg10: memref<!tpu.dma_semaphore, #tpu.memory_space<semaphore_mem>>, %arg11: memref<!tpu.dma_semaphore, #tpu.memory_space<semaphore_mem>>, %arg12: memref<!tpu.dma_semaphore, #tpu.memory_space<semaphore_mem>>, %arg13: memref<!tpu.dma_semaphore, #tpu.memory_space<semaphore_mem>>) attributes {dimension_semantics = [#tpu.dimension_semantics<core_parallel>, #tpu.dimension_semantics<subcore_parallel>], iteration_bounds = array<i64: 2, 16>, scalar_prefetch = 0 : i64, scratch_operands = 9 : i64, tpu.core_type = #tpu.core_type<sc_vector_subcore>, window_params = [{transform_indices = #map}, {transform_indices = #map1}, {transform_indices = #map}]} {
    %mul3A = arith.constant 2 : i32
    %mul3A_0 = arith.muli %arg1, %mul3A : i32
    %add3A = arith.addi %mul3A_0, %arg0 : i32
    %mul3A_1 = arith.constant 3200 : i32
    %mul3A_2 = arith.muli %add3A, %mul3A_1 : i32
    "tpu.region"() ({
      %run_scoped3A = tpu.sem_alloc : memref<!tpu.dma_semaphore, #tpu.memory_space<semaphore_mem>>
      %dma_start3A_33 = tpu.memref_slice %arg3[%mul3A_2] : memref<102400xi32, #tpu.memory_space<hbm>> -> memref<3200xi32, #tpu.memory_space<hbm>>
      %dma_start3A_34 = tpu.memref_slice %arg3[%mul3A_2] : memref<102400xi32, #tpu.memory_space<hbm>> -> memref<3200xi32, #tpu.memory_space<hbm>>
      tpu.enqueue_dma source(%dma_start3A_34 : memref<3200xi32, #tpu.memory_space<hbm>>) target(%arg5 : memref<3200xi32, #tpu.memory_space<vmem>>) target_semaphore(%run_scoped3A : memref<!tpu.dma_semaphore, #tpu.memory_space<semaphore_mem>>)
      %dma_wait3A_35 = tpu.memref_slice %arg3[%mul3A_2] : memref<102400xi32, #tpu.memory_space<hbm>> -> memref<3200xi32, #tpu.memory_space<hbm>>
      %dma_wait3A_36 = tpu.memref_slice %arg3[%mul3A_2] : memref<102400xi32, #tpu.memory_space<hbm>> -> memref<3200xi32, #tpu.memory_space<hbm>>
      tpu.wait_dma2 semaphore(%run_scoped3A : memref<!tpu.dma_semaphore, #tpu.memory_space<semaphore_mem>>) src(%dma_wait3A_36 : memref<3200xi32, #tpu.memory_space<hbm>>) dst(%arg5 : memref<3200xi32, #tpu.memory_space<vmem>>)
      tpu.yield
    }) : () -> ()
    %dma_start3A = arith.constant 0 : i32
    %dma_start3A_3 = tpu.memref_slice %arg5[%dma_start3A] : memref<3200xi32, #tpu.memory_space<vmem>> -> memref<128xi32, #tpu.memory_space<vmem>>
    %dma_start3A_4 = arith.constant 0 : i32
    %dma_start3A_5 = arith.constant 0 : i32
    %dma_start3A_6 = tpu.memref_slice %arg2[%dma_start3A_4, %dma_start3A_5] : memref<100000x128xf32, #tpu.memory_space<hbm>> -> memref<100000x128xf32, #tpu.memory_space<hbm>>
    tpu.enqueue_indirect_dma source(%dma_start3A_6 : memref<100000x128xf32, #tpu.memory_space<hbm>>) target(%arg6 : memref<128x128xf32, #tpu.memory_space<vmem>>) offsets(%dma_start3A_3 : memref<128xi32, #tpu.memory_space<vmem>>) semaphore(%arg10 : memref<!tpu.dma_semaphore, #tpu.memory_space<semaphore_mem>>)
    %dma_start3A_7 = arith.constant 128 : i32
    %dma_start3A_8 = tpu.memref_slice %arg5[%dma_start3A_7] : memref<3200xi32, #tpu.memory_space<vmem>> -> memref<128xi32, #tpu.memory_space<vmem>>
    %dma_start3A_9 = arith.constant 0 : i32
    %dma_start3A_10 = arith.constant 0 : i32
    %dma_start3A_11 = tpu.memref_slice %arg2[%dma_start3A_9, %dma_start3A_10] : memref<100000x128xf32, #tpu.memory_space<hbm>> -> memref<100000x128xf32, #tpu.memory_space<hbm>>
    tpu.enqueue_indirect_dma source(%dma_start3A_11 : memref<100000x128xf32, #tpu.memory_space<hbm>>) target(%arg7 : memref<128x128xf32, #tpu.memory_space<vmem>>) offsets(%dma_start3A_8 : memref<128xi32, #tpu.memory_space<vmem>>) semaphore(%arg11 : memref<!tpu.dma_semaphore, #tpu.memory_space<semaphore_mem>>)
    %dma_start3A_12 = arith.constant 256 : i32
    %dma_start3A_13 = tpu.memref_slice %arg5[%dma_start3A_12] : memref<3200xi32, #tpu.memory_space<vmem>> -> memref<128xi32, #tpu.memory_space<vmem>>
    %dma_start3A_14 = arith.constant 0 : i32
    %dma_start3A_15 = arith.constant 0 : i32
    %dma_start3A_16 = tpu.memref_slice %arg2[%dma_start3A_14, %dma_start3A_15] : memref<100000x128xf32, #tpu.memory_space<hbm>> -> memref<100000x128xf32, #tpu.memory_space<hbm>>
    tpu.enqueue_indirect_dma source(%dma_start3A_16 : memref<100000x128xf32, #tpu.memory_space<hbm>>) target(%arg8 : memref<128x128xf32, #tpu.memory_space<vmem>>) offsets(%dma_start3A_13 : memref<128xi32, #tpu.memory_space<vmem>>) semaphore(%arg12 : memref<!tpu.dma_semaphore, #tpu.memory_space<semaphore_mem>>)
    %dma_start3A_17 = arith.constant 384 : i32
    %dma_start3A_18 = tpu.memref_slice %arg5[%dma_start3A_17] : memref<3200xi32, #tpu.memory_space<vmem>> -> memref<128xi32, #tpu.memory_space<vmem>>
    %dma_start3A_19 = arith.constant 0 : i32
    %dma_start3A_20 = arith.constant 0 : i32
    %dma_start3A_21 = tpu.memref_slice %arg2[%dma_start3A_19, %dma_start3A_20] : memref<100000x128xf32, #tpu.memory_space<hbm>> -> memref<100000x128xf32, #tpu.memory_space<hbm>>
    tpu.enqueue_indirect_dma source(%dma_start3A_21 : memref<100000x128xf32, #tpu.memory_space<hbm>>) target(%arg9 : memref<128x128xf32, #tpu.memory_space<vmem>>) offsets(%dma_start3A_18 : memref<128xi32, #tpu.memory_space<vmem>>) semaphore(%arg13 : memref<!tpu.dma_semaphore, #tpu.memory_space<semaphore_mem>>)
    %scan3A = arith.constant 0 : i32
    %scan3A_22 = arith.constant 0 : i32
    %scan3A_23 = arith.constant 6 : i32
    %scan3A_24 = arith.addi %scan3A_22, %scan3A_23 : i32
    %scan3A_25 = arith.constant 1 : i32
    scf.for %scan3A_33 = %scan3A_22 to %scan3A_24 step %scan3A_25  : i32 {
      %mul3A_34 = arith.constant 4 : i32
      %mul3A_35 = arith.muli %scan3A_33, %mul3A_34 : i32
      %add3A_36 = arith.constant 0 : i32
      %add3A_37 = arith.addi %mul3A_35, %add3A_36 : i32
      %mul3A_38 = arith.constant 128 : i32
      %mul3A_39 = arith.muli %add3A_37, %mul3A_38 : i32
      %dma_wait3A_40 = tpu.memref_slice %arg5[%mul3A_39] : memref<3200xi32, #tpu.memory_space<vmem>> -> memref<128xi32, #tpu.memory_space<vmem>>
      %dma_wait3A_41 = arith.constant 0 : i32
      %dma_wait3A_42 = arith.constant 0 : i32
      %dma_wait3A_43 = tpu.memref_slice %arg2[%dma_wait3A_41, %dma_wait3A_42] : memref<100000x128xf32, #tpu.memory_space<hbm>> -> memref<100000x128xf32, #tpu.memory_space<hbm>>
      tpu.wait_indirect_dma semaphore(%arg10 : memref<!tpu.dma_semaphore, #tpu.memory_space<semaphore_mem>>) src(%dma_wait3A_43 : memref<100000x128xf32, #tpu.memory_space<hbm>>) dst(%arg6 : memref<128x128xf32, #tpu.memory_space<vmem>>)
      %mul3A_44 = arith.constant 128 : i32
      %mul3A_45 = arith.muli %add3A_37, %mul3A_44 : i32
      %add3A_46 = arith.addi %mul3A_2, %mul3A_45 : i32
      "tpu.region"() ({
        %run_scoped3A = tpu.sem_alloc : memref<!tpu.dma_semaphore, #tpu.memory_space<semaphore_mem>>
        %dma_start3A_113 = arith.constant 0 : i32
        %dma_start3A_114 = tpu.memref_slice %arg4[%add3A_46, %dma_start3A_113] : memref<102400x128xf32, #tpu.memory_space<hbm>> -> memref<128x128xf32, #tpu.memory_space<hbm>>
        %dma_start3A_115 = arith.constant 0 : i32
        %dma_start3A_116 = tpu.memref_slice %arg4[%add3A_46, %dma_start3A_115] : memref<102400x128xf32, #tpu.memory_space<hbm>> -> memref<128x128xf32, #tpu.memory_space<hbm>>
        tpu.enqueue_dma source(%arg6 : memref<128x128xf32, #tpu.memory_space<vmem>>) target(%dma_start3A_116 : memref<128x128xf32, #tpu.memory_space<hbm>>) target_semaphore(%run_scoped3A : memref<!tpu.dma_semaphore, #tpu.memory_space<semaphore_mem>>)
        %dma_wait3A_117 = arith.constant 0 : i32
        %dma_wait3A_118 = tpu.memref_slice %arg4[%add3A_46, %dma_wait3A_117] : memref<102400x128xf32, #tpu.memory_space<hbm>> -> memref<128x128xf32, #tpu.memory_space<hbm>>
        %dma_wait3A_119 = arith.constant 0 : i32
        %dma_wait3A_120 = tpu.memref_slice %arg4[%add3A_46, %dma_wait3A_119] : memref<102400x128xf32, #tpu.memory_space<hbm>> -> memref<128x128xf32, #tpu.memory_space<hbm>>
        tpu.wait_dma2 semaphore(%run_scoped3A : memref<!tpu.dma_semaphore, #tpu.memory_space<semaphore_mem>>) src(%arg6 : memref<128x128xf32, #tpu.memory_space<vmem>>) dst(%dma_wait3A_120 : memref<128x128xf32, #tpu.memory_space<hbm>>)
        tpu.yield
      }) : () -> ()
      %add3A_47 = arith.constant 0 : i32
      %add3A_48 = arith.addi %mul3A_35, %add3A_47 : i32
      %add3A_49 = arith.constant 4 : i32
      %add3A_50 = arith.addi %add3A_48, %add3A_49 : i32
      %lt3A = arith.constant 25 : i32
      %lt3A_51 = arith.cmpi slt, %add3A_50, %lt3A : i32
      %convert_element_type3A = arith.extui %lt3A_51 : i1 to i32
      %cond3A = arith.constant 0 : i32
      %cond3A_52 = arith.cmpi ne, %convert_element_type3A, %cond3A : i32
      scf.if %cond3A_52 {
        %add3A_113 = arith.constant 0 : i32
        %add3A_114 = arith.addi %mul3A_35, %add3A_113 : i32
        %add3A_115 = arith.constant 4 : i32
        %add3A_116 = arith.addi %add3A_114, %add3A_115 : i32
        %mul3A_117 = arith.constant 128 : i32
        %mul3A_118 = arith.muli %add3A_116, %mul3A_117 : i32
        %dma_start3A_119 = tpu.memref_slice %arg5[%mul3A_118] : memref<3200xi32, #tpu.memory_space<vmem>> -> memref<128xi32, #tpu.memory_space<vmem>>
        %dma_start3A_120 = arith.constant 0 : i32
        %dma_start3A_121 = arith.constant 0 : i32
        %dma_start3A_122 = tpu.memref_slice %arg2[%dma_start3A_120, %dma_start3A_121] : memref<100000x128xf32, #tpu.memory_space<hbm>> -> memref<100000x128xf32, #tpu.memory_space<hbm>>
        tpu.enqueue_indirect_dma source(%dma_start3A_122 : memref<100000x128xf32, #tpu.memory_space<hbm>>) target(%arg6 : memref<128x128xf32, #tpu.memory_space<vmem>>) offsets(%dma_start3A_119 : memref<128xi32, #tpu.memory_space<vmem>>) semaphore(%arg10 : memref<!tpu.dma_semaphore, #tpu.memory_space<semaphore_mem>>)
      } else {
      }
      %add3A_53 = arith.constant 1 : i32
      %add3A_54 = arith.addi %mul3A_35, %add3A_53 : i32
      %mul3A_55 = arith.constant 128 : i32
      %mul3A_56 = arith.muli %add3A_54, %mul3A_55 : i32
      %dma_wait3A_57 = tpu.memref_slice %arg5[%mul3A_56] : memref<3200xi32, #tpu.memory_space<vmem>> -> memref<128xi32, #tpu.memory_space<vmem>>
      %dma_wait3A_58 = arith.constant 0 : i32
      %dma_wait3A_59 = arith.constant 0 : i32
      %dma_wait3A_60 = tpu.memref_slice %arg2[%dma_wait3A_58, %dma_wait3A_59] : memref<100000x128xf32, #tpu.memory_space<hbm>> -> memref<100000x128xf32, #tpu.memory_space<hbm>>
      tpu.wait_indirect_dma semaphore(%arg11 : memref<!tpu.dma_semaphore, #tpu.memory_space<semaphore_mem>>) src(%dma_wait3A_60 : memref<100000x128xf32, #tpu.memory_space<hbm>>) dst(%arg7 : memref<128x128xf32, #tpu.memory_space<vmem>>)
      %mul3A_61 = arith.constant 128 : i32
      %mul3A_62 = arith.muli %add3A_54, %mul3A_61 : i32
      %add3A_63 = arith.addi %mul3A_2, %mul3A_62 : i32
      "tpu.region"() ({
        %run_scoped3A = tpu.sem_alloc : memref<!tpu.dma_semaphore, #tpu.memory_space<semaphore_mem>>
        %dma_start3A_113 = arith.constant 0 : i32
        %dma_start3A_114 = tpu.memref_slice %arg4[%add3A_63, %dma_start3A_113] : memref<102400x128xf32, #tpu.memory_space<hbm>> -> memref<128x128xf32, #tpu.memory_space<hbm>>
        %dma_start3A_115 = arith.constant 0 : i32
        %dma_start3A_116 = tpu.memref_slice %arg4[%add3A_63, %dma_start3A_115] : memref<102400x128xf32, #tpu.memory_space<hbm>> -> memref<128x128xf32, #tpu.memory_space<hbm>>
        tpu.enqueue_dma source(%arg7 : memref<128x128xf32, #tpu.memory_space<vmem>>) target(%dma_start3A_116 : memref<128x128xf32, #tpu.memory_space<hbm>>) target_semaphore(%run_scoped3A : memref<!tpu.dma_semaphore, #tpu.memory_space<semaphore_mem>>)
        %dma_wait3A_117 = arith.constant 0 : i32
        %dma_wait3A_118 = tpu.memref_slice %arg4[%add3A_63, %dma_wait3A_117] : memref<102400x128xf32, #tpu.memory_space<hbm>> -> memref<128x128xf32, #tpu.memory_space<hbm>>
        %dma_wait3A_119 = arith.constant 0 : i32
        %dma_wait3A_120 = tpu.memref_slice %arg4[%add3A_63, %dma_wait3A_119] : memref<102400x128xf32, #tpu.memory_space<hbm>> -> memref<128x128xf32, #tpu.memory_space<hbm>>
        tpu.wait_dma2 semaphore(%run_scoped3A : memref<!tpu.dma_semaphore, #tpu.memory_space<semaphore_mem>>) src(%arg7 : memref<128x128xf32, #tpu.memory_space<vmem>>) dst(%dma_wait3A_120 : memref<128x128xf32, #tpu.memory_space<hbm>>)
        tpu.yield
      }) : () -> ()
      %add3A_64 = arith.constant 1 : i32
      %add3A_65 = arith.addi %mul3A_35, %add3A_64 : i32
      %add3A_66 = arith.constant 4 : i32
      %add3A_67 = arith.addi %add3A_65, %add3A_66 : i32
      %lt3A_68 = arith.constant 25 : i32
      %lt3A_69 = arith.cmpi slt, %add3A_67, %lt3A_68 : i32
      %convert_element_type3A_70 = arith.extui %lt3A_69 : i1 to i32
      %cond3A_71 = arith.constant 0 : i32
      %cond3A_72 = arith.cmpi ne, %convert_element_type3A_70, %cond3A_71 : i32
      scf.if %cond3A_72 {
        %add3A_113 = arith.constant 1 : i32
        %add3A_114 = arith.addi %mul3A_35, %add3A_113 : i32
        %add3A_115 = arith.constant 4 : i32
        %add3A_116 = arith.addi %add3A_114, %add3A_115 : i32
        %mul3A_117 = arith.constant 128 : i32
        %mul3A_118 = arith.muli %add3A_116, %mul3A_117 : i32
        %dma_start3A_119 = tpu.memref_slice %arg5[%mul3A_118] : memref<3200xi32, #tpu.memory_space<vmem>> -> memref<128xi32, #tpu.memory_space<vmem>>
        %dma_start3A_120 = arith.constant 0 : i32
        %dma_start3A_121 = arith.constant 0 : i32
        %dma_start3A_122 = tpu.memref_slice %arg2[%dma_start3A_120, %dma_start3A_121] : memref<100000x128xf32, #tpu.memory_space<hbm>> -> memref<100000x128xf32, #tpu.memory_space<hbm>>
        tpu.enqueue_indirect_dma source(%dma_start3A_122 : memref<100000x128xf32, #tpu.memory_space<hbm>>) target(%arg7 : memref<128x128xf32, #tpu.memory_space<vmem>>) offsets(%dma_start3A_119 : memref<128xi32, #tpu.memory_space<vmem>>) semaphore(%arg11 : memref<!tpu.dma_semaphore, #tpu.memory_space<semaphore_mem>>)
      } else {
      }
      %add3A_73 = arith.constant 2 : i32
      %add3A_74 = arith.addi %mul3A_35, %add3A_73 : i32
      %mul3A_75 = arith.constant 128 : i32
      %mul3A_76 = arith.muli %add3A_74, %mul3A_75 : i32
      %dma_wait3A_77 = tpu.memref_slice %arg5[%mul3A_76] : memref<3200xi32, #tpu.memory_space<vmem>> -> memref<128xi32, #tpu.memory_space<vmem>>
      %dma_wait3A_78 = arith.constant 0 : i32
      %dma_wait3A_79 = arith.constant 0 : i32
      %dma_wait3A_80 = tpu.memref_slice %arg2[%dma_wait3A_78, %dma_wait3A_79] : memref<100000x128xf32, #tpu.memory_space<hbm>> -> memref<100000x128xf32, #tpu.memory_space<hbm>>
      tpu.wait_indirect_dma semaphore(%arg12 : memref<!tpu.dma_semaphore, #tpu.memory_space<semaphore_mem>>) src(%dma_wait3A_80 : memref<100000x128xf32, #tpu.memory_space<hbm>>) dst(%arg8 : memref<128x128xf32, #tpu.memory_space<vmem>>)
      %mul3A_81 = arith.constant 128 : i32
      %mul3A_82 = arith.muli %add3A_74, %mul3A_81 : i32
      %add3A_83 = arith.addi %mul3A_2, %mul3A_82 : i32
      "tpu.region"() ({
        %run_scoped3A = tpu.sem_alloc : memref<!tpu.dma_semaphore, #tpu.memory_space<semaphore_mem>>
        %dma_start3A_113 = arith.constant 0 : i32
        %dma_start3A_114 = tpu.memref_slice %arg4[%add3A_83, %dma_start3A_113] : memref<102400x128xf32, #tpu.memory_space<hbm>> -> memref<128x128xf32, #tpu.memory_space<hbm>>
        %dma_start3A_115 = arith.constant 0 : i32
        %dma_start3A_116 = tpu.memref_slice %arg4[%add3A_83, %dma_start3A_115] : memref<102400x128xf32, #tpu.memory_space<hbm>> -> memref<128x128xf32, #tpu.memory_space<hbm>>
        tpu.enqueue_dma source(%arg8 : memref<128x128xf32, #tpu.memory_space<vmem>>) target(%dma_start3A_116 : memref<128x128xf32, #tpu.memory_space<hbm>>) target_semaphore(%run_scoped3A : memref<!tpu.dma_semaphore, #tpu.memory_space<semaphore_mem>>)
        %dma_wait3A_117 = arith.constant 0 : i32
        %dma_wait3A_118 = tpu.memref_slice %arg4[%add3A_83, %dma_wait3A_117] : memref<102400x128xf32, #tpu.memory_space<hbm>> -> memref<128x128xf32, #tpu.memory_space<hbm>>
        %dma_wait3A_119 = arith.constant 0 : i32
        %dma_wait3A_120 = tpu.memref_slice %arg4[%add3A_83, %dma_wait3A_119] : memref<102400x128xf32, #tpu.memory_space<hbm>> -> memref<128x128xf32, #tpu.memory_space<hbm>>
        tpu.wait_dma2 semaphore(%run_scoped3A : memref<!tpu.dma_semaphore, #tpu.memory_space<semaphore_mem>>) src(%arg8 : memref<128x128xf32, #tpu.memory_space<vmem>>) dst(%dma_wait3A_120 : memref<128x128xf32, #tpu.memory_space<hbm>>)
        tpu.yield
      }) : () -> ()
      %add3A_84 = arith.constant 2 : i32
      %add3A_85 = arith.addi %mul3A_35, %add3A_84 : i32
      %add3A_86 = arith.constant 4 : i32
      %add3A_87 = arith.addi %add3A_85, %add3A_86 : i32
      %lt3A_88 = arith.constant 25 : i32
      %lt3A_89 = arith.cmpi slt, %add3A_87, %lt3A_88 : i32
      %convert_element_type3A_90 = arith.extui %lt3A_89 : i1 to i32
      %cond3A_91 = arith.constant 0 : i32
      %cond3A_92 = arith.cmpi ne, %convert_element_type3A_90, %cond3A_91 : i32
      scf.if %cond3A_92 {
        %add3A_113 = arith.constant 2 : i32
        %add3A_114 = arith.addi %mul3A_35, %add3A_113 : i32
        %add3A_115 = arith.constant 4 : i32
        %add3A_116 = arith.addi %add3A_114, %add3A_115 : i32
        %mul3A_117 = arith.constant 128 : i32
        %mul3A_118 = arith.muli %add3A_116, %mul3A_117 : i32
        %dma_start3A_119 = tpu.memref_slice %arg5[%mul3A_118] : memref<3200xi32, #tpu.memory_space<vmem>> -> memref<128xi32, #tpu.memory_space<vmem>>
        %dma_start3A_120 = arith.constant 0 : i32
        %dma_start3A_121 = arith.constant 0 : i32
        %dma_start3A_122 = tpu.memref_slice %arg2[%dma_start3A_120, %dma_start3A_121] : memref<100000x128xf32, #tpu.memory_space<hbm>> -> memref<100000x128xf32, #tpu.memory_space<hbm>>
        tpu.enqueue_indirect_dma source(%dma_start3A_122 : memref<100000x128xf32, #tpu.memory_space<hbm>>) target(%arg8 : memref<128x128xf32, #tpu.memory_space<vmem>>) offsets(%dma_start3A_119 : memref<128xi32, #tpu.memory_space<vmem>>) semaphore(%arg12 : memref<!tpu.dma_semaphore, #tpu.memory_space<semaphore_mem>>)
      } else {
      }
      %add3A_93 = arith.constant 3 : i32
      %add3A_94 = arith.addi %mul3A_35, %add3A_93 : i32
      %mul3A_95 = arith.constant 128 : i32
      %mul3A_96 = arith.muli %add3A_94, %mul3A_95 : i32
      %dma_wait3A_97 = tpu.memref_slice %arg5[%mul3A_96] : memref<3200xi32, #tpu.memory_space<vmem>> -> memref<128xi32, #tpu.memory_space<vmem>>
      %dma_wait3A_98 = arith.constant 0 : i32
      %dma_wait3A_99 = arith.constant 0 : i32
      %dma_wait3A_100 = tpu.memref_slice %arg2[%dma_wait3A_98, %dma_wait3A_99] : memref<100000x128xf32, #tpu.memory_space<hbm>> -> memref<100000x128xf32, #tpu.memory_space<hbm>>
      tpu.wait_indirect_dma semaphore(%arg13 : memref<!tpu.dma_semaphore, #tpu.memory_space<semaphore_mem>>) src(%dma_wait3A_100 : memref<100000x128xf32, #tpu.memory_space<hbm>>) dst(%arg9 : memref<128x128xf32, #tpu.memory_space<vmem>>)
      %mul3A_101 = arith.constant 128 : i32
      %mul3A_102 = arith.muli %add3A_94, %mul3A_101 : i32
      %add3A_103 = arith.addi %mul3A_2, %mul3A_102 : i32
      "tpu.region"() ({
        %run_scoped3A = tpu.sem_alloc : memref<!tpu.dma_semaphore, #tpu.memory_space<semaphore_mem>>
        %dma_start3A_113 = arith.constant 0 : i32
        %dma_start3A_114 = tpu.memref_slice %arg4[%add3A_103, %dma_start3A_113] : memref<102400x128xf32, #tpu.memory_space<hbm>> -> memref<128x128xf32, #tpu.memory_space<hbm>>
        %dma_start3A_115 = arith.constant 0 : i32
        %dma_start3A_116 = tpu.memref_slice %arg4[%add3A_103, %dma_start3A_115] : memref<102400x128xf32, #tpu.memory_space<hbm>> -> memref<128x128xf32, #tpu.memory_space<hbm>>
        tpu.enqueue_dma source(%arg9 : memref<128x128xf32, #tpu.memory_space<vmem>>) target(%dma_start3A_116 : memref<128x128xf32, #tpu.memory_space<hbm>>) target_semaphore(%run_scoped3A : memref<!tpu.dma_semaphore, #tpu.memory_space<semaphore_mem>>)
        %dma_wait3A_117 = arith.constant 0 : i32
        %dma_wait3A_118 = tpu.memref_slice %arg4[%add3A_103, %dma_wait3A_117] : memref<102400x128xf32, #tpu.memory_space<hbm>> -> memref<128x128xf32, #tpu.memory_space<hbm>>
        %dma_wait3A_119 = arith.constant 0 : i32
        %dma_wait3A_120 = tpu.memref_slice %arg4[%add3A_103, %dma_wait3A_119] : memref<102400x128xf32, #tpu.memory_space<hbm>> -> memref<128x128xf32, #tpu.memory_space<hbm>>
        tpu.wait_dma2 semaphore(%run_scoped3A : memref<!tpu.dma_semaphore, #tpu.memory_space<semaphore_mem>>) src(%arg9 : memref<128x128xf32, #tpu.memory_space<vmem>>) dst(%dma_wait3A_120 : memref<128x128xf32, #tpu.memory_space<hbm>>)
        tpu.yield
      }) : () -> ()
      %add3A_104 = arith.constant 3 : i32
      %add3A_105 = arith.addi %mul3A_35, %add3A_104 : i32
      %add3A_106 = arith.constant 4 : i32
      %add3A_107 = arith.addi %add3A_105, %add3A_106 : i32
      %lt3A_108 = arith.constant 25 : i32
      %lt3A_109 = arith.cmpi slt, %add3A_107, %lt3A_108 : i32
      %convert_element_type3A_110 = arith.extui %lt3A_109 : i1 to i32
      %cond3A_111 = arith.constant 0 : i32
      %cond3A_112 = arith.cmpi ne, %convert_element_type3A_110, %cond3A_111 : i32
      scf.if %cond3A_112 {
        %add3A_113 = arith.constant 3 : i32
        %add3A_114 = arith.addi %mul3A_35, %add3A_113 : i32
        %add3A_115 = arith.constant 4 : i32
        %add3A_116 = arith.addi %add3A_114, %add3A_115 : i32
        %mul3A_117 = arith.constant 128 : i32
        %mul3A_118 = arith.muli %add3A_116, %mul3A_117 : i32
        %dma_start3A_119 = tpu.memref_slice %arg5[%mul3A_118] : memref<3200xi32, #tpu.memory_space<vmem>> -> memref<128xi32, #tpu.memory_space<vmem>>
        %dma_start3A_120 = arith.constant 0 : i32
        %dma_start3A_121 = arith.constant 0 : i32
        %dma_start3A_122 = tpu.memref_slice %arg2[%dma_start3A_120, %dma_start3A_121] : memref<100000x128xf32, #tpu.memory_space<hbm>> -> memref<100000x128xf32, #tpu.memory_space<hbm>>
        tpu.enqueue_indirect_dma source(%dma_start3A_122 : memref<100000x128xf32, #tpu.memory_space<hbm>>) target(%arg9 : memref<128x128xf32, #tpu.memory_space<vmem>>) offsets(%dma_start3A_119 : memref<128xi32, #tpu.memory_space<vmem>>) semaphore(%arg13 : memref<!tpu.dma_semaphore, #tpu.memory_space<semaphore_mem>>)
      } else {
      }
    }
    %scan3A_26 = arith.constant 6 : i32
    %dma_wait3A = arith.constant 3072 : i32
    %dma_wait3A_27 = tpu.memref_slice %arg5[%dma_wait3A] : memref<3200xi32, #tpu.memory_space<vmem>> -> memref<128xi32, #tpu.memory_space<vmem>>
    %dma_wait3A_28 = arith.constant 0 : i32
    %dma_wait3A_29 = arith.constant 0 : i32
    %dma_wait3A_30 = tpu.memref_slice %arg2[%dma_wait3A_28, %dma_wait3A_29] : memref<100000x128xf32, #tpu.memory_space<hbm>> -> memref<100000x128xf32, #tpu.memory_space<hbm>>
    tpu.wait_indirect_dma semaphore(%arg10 : memref<!tpu.dma_semaphore, #tpu.memory_space<semaphore_mem>>) src(%dma_wait3A_30 : memref<100000x128xf32, #tpu.memory_space<hbm>>) dst(%arg6 : memref<128x128xf32, #tpu.memory_space<vmem>>)
    %add3A_31 = arith.constant 3072 : i32
    %add3A_32 = arith.addi %mul3A_2, %add3A_31 : i32
    "tpu.region"() ({
      %run_scoped3A = tpu.sem_alloc : memref<!tpu.dma_semaphore, #tpu.memory_space<semaphore_mem>>
      %dma_start3A_33 = arith.constant 0 : i32
      %dma_start3A_34 = tpu.memref_slice %arg4[%add3A_32, %dma_start3A_33] : memref<102400x128xf32, #tpu.memory_space<hbm>> -> memref<128x128xf32, #tpu.memory_space<hbm>>
      %dma_start3A_35 = arith.constant 0 : i32
      %dma_start3A_36 = tpu.memref_slice %arg4[%add3A_32, %dma_start3A_35] : memref<102400x128xf32, #tpu.memory_space<hbm>> -> memref<128x128xf32, #tpu.memory_space<hbm>>
      tpu.enqueue_dma source(%arg6 : memref<128x128xf32, #tpu.memory_space<vmem>>) target(%dma_start3A_36 : memref<128x128xf32, #tpu.memory_space<hbm>>) target_semaphore(%run_scoped3A : memref<!tpu.dma_semaphore, #tpu.memory_space<semaphore_mem>>)
      %dma_wait3A_37 = arith.constant 0 : i32
      %dma_wait3A_38 = tpu.memref_slice %arg4[%add3A_32, %dma_wait3A_37] : memref<102400x128xf32, #tpu.memory_space<hbm>> -> memref<128x128xf32, #tpu.memory_space<hbm>>
      %dma_wait3A_39 = arith.constant 0 : i32
      %dma_wait3A_40 = tpu.memref_slice %arg4[%add3A_32, %dma_wait3A_39] : memref<102400x128xf32, #tpu.memory_space<hbm>> -> memref<128x128xf32, #tpu.memory_space<hbm>>
      tpu.wait_dma2 semaphore(%run_scoped3A : memref<!tpu.dma_semaphore, #tpu.memory_space<semaphore_mem>>) src(%arg6 : memref<128x128xf32, #tpu.memory_space<vmem>>) dst(%dma_wait3A_40 : memref<128x128xf32, #tpu.memory_space<hbm>>)
      tpu.yield
    }) : () -> ()
    return
  }
}

#map = affine_map<(d0, d1) -> (0, 0)>
#map1 = affine_map<(d0, d1) -> (0)>
module attributes {stable_mosaic.version = 14 : i64} {
  func.func @gather_kernel(%arg0: i32, %arg1: i32, %arg2: memref<100000x128xf32, #tpu.memory_space<hbm>>, %arg3: memref<102400xi32, #tpu.memory_space<hbm>>, %arg4: memref<102400x128xf32, #tpu.memory_space<hbm>>, %arg5: memref<3200xi32, #tpu.memory_space<vmem>>, %arg6: memref<128x128xf32, #tpu.memory_space<vmem>>, %arg7: memref<128x128xf32, #tpu.memory_space<vmem>>, %arg8: memref<128x128xf32, #tpu.memory_space<vmem>>, %arg9: memref<128x128xf32, #tpu.memory_space<vmem>>, %arg10: memref<!tpu.dma_semaphore, #tpu.memory_space<semaphore_mem>>, %arg11: memref<!tpu.dma_semaphore, #tpu.memory_space<semaphore_mem>>, %arg12: memref<!tpu.dma_semaphore, #tpu.memory_space<semaphore_mem>>, %arg13: memref<!tpu.dma_semaphore, #tpu.memory_space<semaphore_mem>>) attributes {dimension_semantics = [#tpu.dimension_semantics<core_parallel>, #tpu.dimension_semantics<subcore_parallel>], iteration_bounds = array<i64: 2, 16>, scalar_prefetch = 0 : i64, scratch_operands = 9 : i64, tpu.core_type = #tpu.core_type<sc_vector_subcore>, window_params = [{transform_indices = #map}, {transform_indices = #map1}, {transform_indices = #map}]} {
    %mul3A = arith.constant 2 : i32
    %mul3A_0 = arith.muli %arg1, %mul3A : i32
    %add3A = arith.addi %mul3A_0, %arg0 : i32
    %mul3A_1 = arith.constant 3200 : i32
    %mul3A_2 = arith.muli %add3A, %mul3A_1 : i32
    "tpu.region"() ({
      %run_scoped3A = tpu.sem_alloc : memref<!tpu.dma_semaphore, #tpu.memory_space<semaphore_mem>>
      %dma_start3A_33 = tpu.memref_slice %arg3[%mul3A_2] : memref<102400xi32, #tpu.memory_space<hbm>> -> memref<3200xi32, #tpu.memory_space<hbm>>
      %dma_start3A_34 = tpu.memref_slice %arg3[%mul3A_2] : memref<102400xi32, #tpu.memory_space<hbm>> -> memref<3200xi32, #tpu.memory_space<hbm>>
      tpu.enqueue_dma source(%dma_start3A_34 : memref<3200xi32, #tpu.memory_space<hbm>>) target(%arg5 : memref<3200xi32, #tpu.memory_space<vmem>>) target_semaphore(%run_scoped3A : memref<!tpu.dma_semaphore, #tpu.memory_space<semaphore_mem>>)
      %dma_wait3A_35 = tpu.memref_slice %arg3[%mul3A_2] : memref<102400xi32, #tpu.memory_space<hbm>> -> memref<3200xi32, #tpu.memory_space<hbm>>
      %dma_wait3A_36 = tpu.memref_slice %arg3[%mul3A_2] : memref<102400xi32, #tpu.memory_space<hbm>> -> memref<3200xi32, #tpu.memory_space<hbm>>
      tpu.wait_dma2 semaphore(%run_scoped3A : memref<!tpu.dma_semaphore, #tpu.memory_space<semaphore_mem>>) src(%dma_wait3A_36 : memref<3200xi32, #tpu.memory_space<hbm>>) dst(%arg5 : memref<3200xi32, #tpu.memory_space<vmem>>)
      tpu.yield
    }) : () -> ()
    %dma_start3A = arith.constant 0 : i32
    %dma_start3A_3 = tpu.memref_slice %arg5[%dma_start3A] : memref<3200xi32, #tpu.memory_space<vmem>> -> memref<128xi32, #tpu.memory_space<vmem>>
    %dma_start3A_4 = arith.constant 0 : i32
    %dma_start3A_5 = arith.constant 0 : i32
    %dma_start3A_6 = tpu.memref_slice %arg2[%dma_start3A_4, %dma_start3A_5] : memref<100000x128xf32, #tpu.memory_space<hbm>> -> memref<100000x128xf32, #tpu.memory_space<hbm>>
    tpu.enqueue_indirect_dma source(%dma_start3A_6 : memref<100000x128xf32, #tpu.memory_space<hbm>>) target(%arg6 : memref<128x128xf32, #tpu.memory_space<vmem>>) offsets(%dma_start3A_3 : memref<128xi32, #tpu.memory_space<vmem>>) semaphore(%arg10 : memref<!tpu.dma_semaphore, #tpu.memory_space<semaphore_mem>>)
    %dma_start3A_7 = arith.constant 128 : i32
    %dma_start3A_8 = tpu.memref_slice %arg5[%dma_start3A_7] : memref<3200xi32, #tpu.memory_space<vmem>> -> memref<128xi32, #tpu.memory_space<vmem>>
    %dma_start3A_9 = arith.constant 0 : i32
    %dma_start3A_10 = arith.constant 0 : i32
    %dma_start3A_11 = tpu.memref_slice %arg2[%dma_start3A_9, %dma_start3A_10] : memref<100000x128xf32, #tpu.memory_space<hbm>> -> memref<100000x128xf32, #tpu.memory_space<hbm>>
    tpu.enqueue_indirect_dma source(%dma_start3A_11 : memref<100000x128xf32, #tpu.memory_space<hbm>>) target(%arg7 : memref<128x128xf32, #tpu.memory_space<vmem>>) offsets(%dma_start3A_8 : memref<128xi32, #tpu.memory_space<vmem>>) semaphore(%arg11 : memref<!tpu.dma_semaphore, #tpu.memory_space<semaphore_mem>>)
    %dma_start3A_12 = arith.constant 256 : i32
    %dma_start3A_13 = tpu.memref_slice %arg5[%dma_start3A_12] : memref<3200xi32, #tpu.memory_space<vmem>> -> memref<128xi32, #tpu.memory_space<vmem>>
    %dma_start3A_14 = arith.constant 0 : i32
    %dma_start3A_15 = arith.constant 0 : i32
    %dma_start3A_16 = tpu.memref_slice %arg2[%dma_start3A_14, %dma_start3A_15] : memref<100000x128xf32, #tpu.memory_space<hbm>> -> memref<100000x128xf32, #tpu.memory_space<hbm>>
    tpu.enqueue_indirect_dma source(%dma_start3A_16 : memref<100000x128xf32, #tpu.memory_space<hbm>>) target(%arg8 : memref<128x128xf32, #tpu.memory_space<vmem>>) offsets(%dma_start3A_13 : memref<128xi32, #tpu.memory_space<vmem>>) semaphore(%arg12 : memref<!tpu.dma_semaphore, #tpu.memory_space<semaphore_mem>>)
    %dma_start3A_17 = arith.constant 384 : i32
    %dma_start3A_18 = tpu.memref_slice %arg5[%dma_start3A_17] : memref<3200xi32, #tpu.memory_space<vmem>> -> memref<128xi32, #tpu.memory_space<vmem>>
    %dma_start3A_19 = arith.constant 0 : i32
    %dma_start3A_20 = arith.constant 0 : i32
    %dma_start3A_21 = tpu.memref_slice %arg2[%dma_start3A_19, %dma_start3A_20] : memref<100000x128xf32, #tpu.memory_space<hbm>> -> memref<100000x128xf32, #tpu.memory_space<hbm>>
    tpu.enqueue_indirect_dma source(%dma_start3A_21 : memref<100000x128xf32, #tpu.memory_space<hbm>>) target(%arg9 : memref<128x128xf32, #tpu.memory_space<vmem>>) offsets(%dma_start3A_18 : memref<128xi32, #tpu.memory_space<vmem>>) semaphore(%arg13 : memref<!tpu.dma_semaphore, #tpu.memory_space<semaphore_mem>>)
    %scan3A = arith.constant 0 : i32
    %scan3A_22 = arith.constant 0 : i32
    %scan3A_23 = arith.constant 6 : i32
    %scan3A_24 = arith.addi %scan3A_22, %scan3A_23 : i32
    %scan3A_25 = arith.constant 1 : i32
    scf.for %scan3A_33 = %scan3A_22 to %scan3A_24 step %scan3A_25  : i32 {
      %mul3A_34 = arith.constant 4 : i32
      %mul3A_35 = arith.muli %scan3A_33, %mul3A_34 : i32
      %add3A_36 = arith.constant 0 : i32
      %add3A_37 = arith.addi %mul3A_35, %add3A_36 : i32
      %mul3A_38 = arith.constant 128 : i32
      %mul3A_39 = arith.muli %add3A_37, %mul3A_38 : i32
      %dma_wait3A_40 = tpu.memref_slice %arg5[%mul3A_39] : memref<3200xi32, #tpu.memory_space<vmem>> -> memref<128xi32, #tpu.memory_space<vmem>>
      %dma_wait3A_41 = arith.constant 0 : i32
      %dma_wait3A_42 = arith.constant 0 : i32
      %dma_wait3A_43 = tpu.memref_slice %arg2[%dma_wait3A_41, %dma_wait3A_42] : memref<100000x128xf32, #tpu.memory_space<hbm>> -> memref<100000x128xf32, #tpu.memory_space<hbm>>
      tpu.wait_indirect_dma semaphore(%arg10 : memref<!tpu.dma_semaphore, #tpu.memory_space<semaphore_mem>>) src(%dma_wait3A_43 : memref<100000x128xf32, #tpu.memory_space<hbm>>) dst(%arg6 : memref<128x128xf32, #tpu.memory_space<vmem>>)
      %mul3A_44 = arith.constant 128 : i32
      %mul3A_45 = arith.muli %add3A_37, %mul3A_44 : i32
      %add3A_46 = arith.addi %mul3A_2, %mul3A_45 : i32
      "tpu.region"() ({
        %run_scoped3A = tpu.sem_alloc : memref<!tpu.dma_semaphore, #tpu.memory_space<semaphore_mem>>
        %dma_start3A_113 = arith.constant 0 : i32
        %dma_start3A_114 = tpu.memref_slice %arg4[%add3A_46, %dma_start3A_113] : memref<102400x128xf32, #tpu.memory_space<hbm>> -> memref<128x128xf32, #tpu.memory_space<hbm>>
        %dma_start3A_115 = arith.constant 0 : i32
        %dma_start3A_116 = tpu.memref_slice %arg4[%add3A_46, %dma_start3A_115] : memref<102400x128xf32, #tpu.memory_space<hbm>> -> memref<128x128xf32, #tpu.memory_space<hbm>>
        tpu.enqueue_dma source(%arg6 : memref<128x128xf32, #tpu.memory_space<vmem>>) target(%dma_start3A_116 : memref<128x128xf32, #tpu.memory_space<hbm>>) target_semaphore(%run_scoped3A : memref<!tpu.dma_semaphore, #tpu.memory_space<semaphore_mem>>)
        %dma_wait3A_117 = arith.constant 0 : i32
        %dma_wait3A_118 = tpu.memref_slice %arg4[%add3A_46, %dma_wait3A_117] : memref<102400x128xf32, #tpu.memory_space<hbm>> -> memref<128x128xf32, #tpu.memory_space<hbm>>
        %dma_wait3A_119 = arith.constant 0 : i32
        %dma_wait3A_120 = tpu.memref_slice %arg4[%add3A_46, %dma_wait3A_119] : memref<102400x128xf32, #tpu.memory_space<hbm>> -> memref<128x128xf32, #tpu.memory_space<hbm>>
        tpu.wait_dma2 semaphore(%run_scoped3A : memref<!tpu.dma_semaphore, #tpu.memory_space<semaphore_mem>>) src(%arg6 : memref<128x128xf32, #tpu.memory_space<vmem>>) dst(%dma_wait3A_120 : memref<128x128xf32, #tpu.memory_space<hbm>>)
        tpu.yield
      }) : () -> ()
      %add3A_47 = arith.constant 0 : i32
      %add3A_48 = arith.addi %mul3A_35, %add3A_47 : i32
      %add3A_49 = arith.constant 4 : i32
      %add3A_50 = arith.addi %add3A_48, %add3A_49 : i32
      %lt3A = arith.constant 25 : i32
      %lt3A_51 = arith.cmpi slt, %add3A_50, %lt3A : i32
      %convert_element_type3A = arith.extui %lt3A_51 : i1 to i32
      %cond3A = arith.constant 0 : i32
      %cond3A_52 = arith.cmpi ne, %convert_element_type3A, %cond3A : i32
      scf.if %cond3A_52 {
        %add3A_113 = arith.constant 0 : i32
        %add3A_114 = arith.addi %mul3A_35, %add3A_113 : i32
        %add3A_115 = arith.constant 4 : i32
        %add3A_116 = arith.addi %add3A_114, %add3A_115 : i32
        %mul3A_117 = arith.constant 128 : i32
        %mul3A_118 = arith.muli %add3A_116, %mul3A_117 : i32
        %dma_start3A_119 = tpu.memref_slice %arg5[%mul3A_118] : memref<3200xi32, #tpu.memory_space<vmem>> -> memref<128xi32, #tpu.memory_space<vmem>>
        %dma_start3A_120 = arith.constant 0 : i32
        %dma_start3A_121 = arith.constant 0 : i32
        %dma_start3A_122 = tpu.memref_slice %arg2[%dma_start3A_120, %dma_start3A_121] : memref<100000x128xf32, #tpu.memory_space<hbm>> -> memref<100000x128xf32, #tpu.memory_space<hbm>>
        tpu.enqueue_indirect_dma source(%dma_start3A_122 : memref<100000x128xf32, #tpu.memory_space<hbm>>) target(%arg6 : memref<128x128xf32, #tpu.memory_space<vmem>>) offsets(%dma_start3A_119 : memref<128xi32, #tpu.memory_space<vmem>>) semaphore(%arg10 : memref<!tpu.dma_semaphore, #tpu.memory_space<semaphore_mem>>)
      } else {
      }
      %add3A_53 = arith.constant 1 : i32
      %add3A_54 = arith.addi %mul3A_35, %add3A_53 : i32
      %mul3A_55 = arith.constant 128 : i32
      %mul3A_56 = arith.muli %add3A_54, %mul3A_55 : i32
      %dma_wait3A_57 = tpu.memref_slice %arg5[%mul3A_56] : memref<3200xi32, #tpu.memory_space<vmem>> -> memref<128xi32, #tpu.memory_space<vmem>>
      %dma_wait3A_58 = arith.constant 0 : i32
      %dma_wait3A_59 = arith.constant 0 : i32
      %dma_wait3A_60 = tpu.memref_slice %arg2[%dma_wait3A_58, %dma_wait3A_59] : memref<100000x128xf32, #tpu.memory_space<hbm>> -> memref<100000x128xf32, #tpu.memory_space<hbm>>
      tpu.wait_indirect_dma semaphore(%arg11 : memref<!tpu.dma_semaphore, #tpu.memory_space<semaphore_mem>>) src(%dma_wait3A_60 : memref<100000x128xf32, #tpu.memory_space<hbm>>) dst(%arg7 : memref<128x128xf32, #tpu.memory_space<vmem>>)
      %mul3A_61 = arith.constant 128 : i32
      %mul3A_62 = arith.muli %add3A_54, %mul3A_61 : i32
      %add3A_63 = arith.addi %mul3A_2, %mul3A_62 : i32
      "tpu.region"() ({
        %run_scoped3A = tpu.sem_alloc : memref<!tpu.dma_semaphore, #tpu.memory_space<semaphore_mem>>
        %dma_start3A_113 = arith.constant 0 : i32
        %dma_start3A_114 = tpu.memref_slice %arg4[%add3A_63, %dma_start3A_113] : memref<102400x128xf32, #tpu.memory_space<hbm>> -> memref<128x128xf32, #tpu.memory_space<hbm>>
        %dma_start3A_115 = arith.constant 0 : i32
        %dma_start3A_116 = tpu.memref_slice %arg4[%add3A_63, %dma_start3A_115] : memref<102400x128xf32, #tpu.memory_space<hbm>> -> memref<128x128xf32, #tpu.memory_space<hbm>>
        tpu.enqueue_dma source(%arg7 : memref<128x128xf32, #tpu.memory_space<vmem>>) target(%dma_start3A_116 : memref<128x128xf32, #tpu.memory_space<hbm>>) target_semaphore(%run_scoped3A : memref<!tpu.dma_semaphore, #tpu.memory_space<semaphore_mem>>)
        %dma_wait3A_117 = arith.constant 0 : i32
        %dma_wait3A_118 = tpu.memref_slice %arg4[%add3A_63, %dma_wait3A_117] : memref<102400x128xf32, #tpu.memory_space<hbm>> -> memref<128x128xf32, #tpu.memory_space<hbm>>
        %dma_wait3A_119 = arith.constant 0 : i32
        %dma_wait3A_120 = tpu.memref_slice %arg4[%add3A_63, %dma_wait3A_119] : memref<102400x128xf32, #tpu.memory_space<hbm>> -> memref<128x128xf32, #tpu.memory_space<hbm>>
        tpu.wait_dma2 semaphore(%run_scoped3A : memref<!tpu.dma_semaphore, #tpu.memory_space<semaphore_mem>>) src(%arg7 : memref<128x128xf32, #tpu.memory_space<vmem>>) dst(%dma_wait3A_120 : memref<128x128xf32, #tpu.memory_space<hbm>>)
        tpu.yield
      }) : () -> ()
      %add3A_64 = arith.constant 1 : i32
      %add3A_65 = arith.addi %mul3A_35, %add3A_64 : i32
      %add3A_66 = arith.constant 4 : i32
      %add3A_67 = arith.addi %add3A_65, %add3A_66 : i32
      %lt3A_68 = arith.constant 25 : i32
      %lt3A_69 = arith.cmpi slt, %add3A_67, %lt3A_68 : i32
      %convert_element_type3A_70 = arith.extui %lt3A_69 : i1 to i32
      %cond3A_71 = arith.constant 0 : i32
      %cond3A_72 = arith.cmpi ne, %convert_element_type3A_70, %cond3A_71 : i32
      scf.if %cond3A_72 {
        %add3A_113 = arith.constant 1 : i32
        %add3A_114 = arith.addi %mul3A_35, %add3A_113 : i32
        %add3A_115 = arith.constant 4 : i32
        %add3A_116 = arith.addi %add3A_114, %add3A_115 : i32
        %mul3A_117 = arith.constant 128 : i32
        %mul3A_118 = arith.muli %add3A_116, %mul3A_117 : i32
        %dma_start3A_119 = tpu.memref_slice %arg5[%mul3A_118] : memref<3200xi32, #tpu.memory_space<vmem>> -> memref<128xi32, #tpu.memory_space<vmem>>
        %dma_start3A_120 = arith.constant 0 : i32
        %dma_start3A_121 = arith.constant 0 : i32
        %dma_start3A_122 = tpu.memref_slice %arg2[%dma_start3A_120, %dma_start3A_121] : memref<100000x128xf32, #tpu.memory_space<hbm>> -> memref<100000x128xf32, #tpu.memory_space<hbm>>
        tpu.enqueue_indirect_dma source(%dma_start3A_122 : memref<100000x128xf32, #tpu.memory_space<hbm>>) target(%arg7 : memref<128x128xf32, #tpu.memory_space<vmem>>) offsets(%dma_start3A_119 : memref<128xi32, #tpu.memory_space<vmem>>) semaphore(%arg11 : memref<!tpu.dma_semaphore, #tpu.memory_space<semaphore_mem>>)
      } else {
      }
      %add3A_73 = arith.constant 2 : i32
      %add3A_74 = arith.addi %mul3A_35, %add3A_73 : i32
      %mul3A_75 = arith.constant 128 : i32
      %mul3A_76 = arith.muli %add3A_74, %mul3A_75 : i32
      %dma_wait3A_77 = tpu.memref_slice %arg5[%mul3A_76] : memref<3200xi32, #tpu.memory_space<vmem>> -> memref<128xi32, #tpu.memory_space<vmem>>
      %dma_wait3A_78 = arith.constant 0 : i32
      %dma_wait3A_79 = arith.constant 0 : i32
      %dma_wait3A_80 = tpu.memref_slice %arg2[%dma_wait3A_78, %dma_wait3A_79] : memref<100000x128xf32, #tpu.memory_space<hbm>> -> memref<100000x128xf32, #tpu.memory_space<hbm>>
      tpu.wait_indirect_dma semaphore(%arg12 : memref<!tpu.dma_semaphore, #tpu.memory_space<semaphore_mem>>) src(%dma_wait3A_80 : memref<100000x128xf32, #tpu.memory_space<hbm>>) dst(%arg8 : memref<128x128xf32, #tpu.memory_space<vmem>>)
      %mul3A_81 = arith.constant 128 : i32
      %mul3A_82 = arith.muli %add3A_74, %mul3A_81 : i32
      %add3A_83 = arith.addi %mul3A_2, %mul3A_82 : i32
      "tpu.region"() ({
        %run_scoped3A = tpu.sem_alloc : memref<!tpu.dma_semaphore, #tpu.memory_space<semaphore_mem>>
        %dma_start3A_113 = arith.constant 0 : i32
        %dma_start3A_114 = tpu.memref_slice %arg4[%add3A_83, %dma_start3A_113] : memref<102400x128xf32, #tpu.memory_space<hbm>> -> memref<128x128xf32, #tpu.memory_space<hbm>>
        %dma_start3A_115 = arith.constant 0 : i32
        %dma_start3A_116 = tpu.memref_slice %arg4[%add3A_83, %dma_start3A_115] : memref<102400x128xf32, #tpu.memory_space<hbm>> -> memref<128x128xf32, #tpu.memory_space<hbm>>
        tpu.enqueue_dma source(%arg8 : memref<128x128xf32, #tpu.memory_space<vmem>>) target(%dma_start3A_116 : memref<128x128xf32, #tpu.memory_space<hbm>>) target_semaphore(%run_scoped3A : memref<!tpu.dma_semaphore, #tpu.memory_space<semaphore_mem>>)
        %dma_wait3A_117 = arith.constant 0 : i32
        %dma_wait3A_118 = tpu.memref_slice %arg4[%add3A_83, %dma_wait3A_117] : memref<102400x128xf32, #tpu.memory_space<hbm>> -> memref<128x128xf32, #tpu.memory_space<hbm>>
        %dma_wait3A_119 = arith.constant 0 : i32
        %dma_wait3A_120 = tpu.memref_slice %arg4[%add3A_83, %dma_wait3A_119] : memref<102400x128xf32, #tpu.memory_space<hbm>> -> memref<128x128xf32, #tpu.memory_space<hbm>>
        tpu.wait_dma2 semaphore(%run_scoped3A : memref<!tpu.dma_semaphore, #tpu.memory_space<semaphore_mem>>) src(%arg8 : memref<128x128xf32, #tpu.memory_space<vmem>>) dst(%dma_wait3A_120 : memref<128x128xf32, #tpu.memory_space<hbm>>)
        tpu.yield
      }) : () -> ()
      %add3A_84 = arith.constant 2 : i32
      %add3A_85 = arith.addi %mul3A_35, %add3A_84 : i32
      %add3A_86 = arith.constant 4 : i32
      %add3A_87 = arith.addi %add3A_85, %add3A_86 : i32
      %lt3A_88 = arith.constant 25 : i32
      %lt3A_89 = arith.cmpi slt, %add3A_87, %lt3A_88 : i32
      %convert_element_type3A_90 = arith.extui %lt3A_89 : i1 to i32
      %cond3A_91 = arith.constant 0 : i32
      %cond3A_92 = arith.cmpi ne, %convert_element_type3A_90, %cond3A_91 : i32
      scf.if %cond3A_92 {
        %add3A_113 = arith.constant 2 : i32
        %add3A_114 = arith.addi %mul3A_35, %add3A_113 : i32
        %add3A_115 = arith.constant 4 : i32
        %add3A_116 = arith.addi %add3A_114, %add3A_115 : i32
        %mul3A_117 = arith.constant 128 : i32
        %mul3A_118 = arith.muli %add3A_116, %mul3A_117 : i32
        %dma_start3A_119 = tpu.memref_slice %arg5[%mul3A_118] : memref<3200xi32, #tpu.memory_space<vmem>> -> memref<128xi32, #tpu.memory_space<vmem>>
        %dma_start3A_120 = arith.constant 0 : i32
        %dma_start3A_121 = arith.constant 0 : i32
        %dma_start3A_122 = tpu.memref_slice %arg2[%dma_start3A_120, %dma_start3A_121] : memref<100000x128xf32, #tpu.memory_space<hbm>> -> memref<100000x128xf32, #tpu.memory_space<hbm>>
        tpu.enqueue_indirect_dma source(%dma_start3A_122 : memref<100000x128xf32, #tpu.memory_space<hbm>>) target(%arg8 : memref<128x128xf32, #tpu.memory_space<vmem>>) offsets(%dma_start3A_119 : memref<128xi32, #tpu.memory_space<vmem>>) semaphore(%arg12 : memref<!tpu.dma_semaphore, #tpu.memory_space<semaphore_mem>>)
      } else {
      }
      %add3A_93 = arith.constant 3 : i32
      %add3A_94 = arith.addi %mul3A_35, %add3A_93 : i32
      %mul3A_95 = arith.constant 128 : i32
      %mul3A_96 = arith.muli %add3A_94, %mul3A_95 : i32
      %dma_wait3A_97 = tpu.memref_slice %arg5[%mul3A_96] : memref<3200xi32, #tpu.memory_space<vmem>> -> memref<128xi32, #tpu.memory_space<vmem>>
      %dma_wait3A_98 = arith.constant 0 : i32
      %dma_wait3A_99 = arith.constant 0 : i32
      %dma_wait3A_100 = tpu.memref_slice %arg2[%dma_wait3A_98, %dma_wait3A_99] : memref<100000x128xf32, #tpu.memory_space<hbm>> -> memref<100000x128xf32, #tpu.memory_space<hbm>>
      tpu.wait_indirect_dma semaphore(%arg13 : memref<!tpu.dma_semaphore, #tpu.memory_space<semaphore_mem>>) src(%dma_wait3A_100 : memref<100000x128xf32, #tpu.memory_space<hbm>>) dst(%arg9 : memref<128x128xf32, #tpu.memory_space<vmem>>)
      %mul3A_101 = arith.constant 128 : i32
      %mul3A_102 = arith.muli %add3A_94, %mul3A_101 : i32
      %add3A_103 = arith.addi %mul3A_2, %mul3A_102 : i32
      "tpu.region"() ({
        %run_scoped3A = tpu.sem_alloc : memref<!tpu.dma_semaphore, #tpu.memory_space<semaphore_mem>>
        %dma_start3A_113 = arith.constant 0 : i32
        %dma_start3A_114 = tpu.memref_slice %arg4[%add3A_103, %dma_start3A_113] : memref<102400x128xf32, #tpu.memory_space<hbm>> -> memref<128x128xf32, #tpu.memory_space<hbm>>
        %dma_start3A_115 = arith.constant 0 : i32
        %dma_start3A_116 = tpu.memref_slice %arg4[%add3A_103, %dma_start3A_115] : memref<102400x128xf32, #tpu.memory_space<hbm>> -> memref<128x128xf32, #tpu.memory_space<hbm>>
        tpu.enqueue_dma source(%arg9 : memref<128x128xf32, #tpu.memory_space<vmem>>) target(%dma_start3A_116 : memref<128x128xf32, #tpu.memory_space<hbm>>) target_semaphore(%run_scoped3A : memref<!tpu.dma_semaphore, #tpu.memory_space<semaphore_mem>>)
        %dma_wait3A_117 = arith.constant 0 : i32
        %dma_wait3A_118 = tpu.memref_slice %arg4[%add3A_103, %dma_wait3A_117] : memref<102400x128xf32, #tpu.memory_space<hbm>> -> memref<128x128xf32, #tpu.memory_space<hbm>>
        %dma_wait3A_119 = arith.constant 0 : i32
        %dma_wait3A_120 = tpu.memref_slice %arg4[%add3A_103, %dma_wait3A_119] : memref<102400x128xf32, #tpu.memory_space<hbm>> -> memref<128x128xf32, #tpu.memory_space<hbm>>
        tpu.wait_dma2 semaphore(%run_scoped3A : memref<!tpu.dma_semaphore, #tpu.memory_space<semaphore_mem>>) src(%arg9 : memref<128x128xf32, #tpu.memory_space<vmem>>) dst(%dma_wait3A_120 : memref<128x128xf32, #tpu.memory_space<hbm>>)
        tpu.yield
      }) : () -> ()
      %add3A_104 = arith.constant 3 : i32
      %add3A_105 = arith.addi %mul3A_35, %add3A_104 : i32
      %add3A_106 = arith.constant 4 : i32
      %add3A_107 = arith.addi %add3A_105, %add3A_106 : i32
      %lt3A_108 = arith.constant 25 : i32
      %lt3A_109 = arith.cmpi slt, %add3A_107, %lt3A_108 : i32
      %convert_element_type3A_110 = arith.extui %lt3A_109 : i1 to i32
      %cond3A_111 = arith.constant 0 : i32
      %cond3A_112 = arith.cmpi ne, %convert_element_type3A_110, %cond3A_111 : i32
      scf.if %cond3A_112 {
        %add3A_113 = arith.constant 3 : i32
        %add3A_114 = arith.addi %mul3A_35, %add3A_113 : i32
        %add3A_115 = arith.constant 4 : i32
        %add3A_116 = arith.addi %add3A_114, %add3A_115 : i32
        %mul3A_117 = arith.constant 128 : i32
        %mul3A_118 = arith.muli %add3A_116, %mul3A_117 : i32
        %dma_start3A_119 = tpu.memref_slice %arg5[%mul3A_118] : memref<3200xi32, #tpu.memory_space<vmem>> -> memref<128xi32, #tpu.memory_space<vmem>>
        %dma_start3A_120 = arith.constant 0 : i32
        %dma_start3A_121 = arith.constant 0 : i32
        %dma_start3A_122 = tpu.memref_slice %arg2[%dma_start3A_120, %dma_start3A_121] : memref<100000x128xf32, #tpu.memory_space<hbm>> -> memref<100000x128xf32, #tpu.memory_space<hbm>>
        tpu.enqueue_indirect_dma source(%dma_start3A_122 : memref<100000x128xf32, #tpu.memory_space<hbm>>) target(%arg9 : memref<128x128xf32, #tpu.memory_space<vmem>>) offsets(%dma_start3A_119 : memref<128xi32, #tpu.memory_space<vmem>>) semaphore(%arg13 : memref<!tpu.dma_semaphore, #tpu.memory_space<semaphore_mem>>)
      } else {
      }
    }
    %scan3A_26 = arith.constant 6 : i32
    %dma_wait3A = arith.constant 3072 : i32
    %dma_wait3A_27 = tpu.memref_slice %arg5[%dma_wait3A] : memref<3200xi32, #tpu.memory_space<vmem>> -> memref<128xi32, #tpu.memory_space<vmem>>
    %dma_wait3A_28 = arith.constant 0 : i32
    %dma_wait3A_29 = arith.constant 0 : i32
    %dma_wait3A_30 = tpu.memref_slice %arg2[%dma_wait3A_28, %dma_wait3A_29] : memref<100000x128xf32, #tpu.memory_space<hbm>> -> memref<100000x128xf32, #tpu.memory_space<hbm>>
    tpu.wait_indirect_dma semaphore(%arg10 : memref<!tpu.dma_semaphore, #tpu.memory_space<semaphore_mem>>) src(%dma_wait3A_30 : memref<100000x128xf32, #tpu.memory_space<hbm>>) dst(%arg6 : memref<128x128xf32, #tpu.memory_space<vmem>>)
    %add3A_31 = arith.constant 3072 : i32
    %add3A_32 = arith.addi %mul3A_2, %add3A_31 : i32
    "tpu.region"() ({
      %run_scoped3A = tpu.sem_alloc : memref<!tpu.dma_semaphore, #tpu.memory_space<semaphore_mem>>
      %dma_start3A_33 = arith.constant 0 : i32
      %dma_start3A_34 = tpu.memref_slice %arg4[%add3A_32, %dma_start3A_33] : memref<102400x128xf32, #tpu.memory_space<hbm>> -> memref<128x128xf32, #tpu.memory_space<hbm>>
      %dma_start3A_35 = arith.constant 0 : i32
      %dma_start3A_36 = tpu.memref_slice %arg4[%add3A_32, %dma_start3A_35] : memref<102400x128xf32, #tpu.memory_space<hbm>> -> memref<128x128xf32, #tpu.memory_space<hbm>>
      tpu.enqueue_dma source(%arg6 : memref<128x128xf32, #tpu.memory_space<vmem>>) target(%dma_start3A_36 : memref<128x128xf32, #tpu.memory_space<hbm>>) target_semaphore(%run_scoped3A : memref<!tpu.dma_semaphore, #tpu.memory_space<semaphore_mem>>)
      %dma_wait3A_37 = arith.constant 0 : i32
      %dma_wait3A_38 = tpu.memref_slice %arg4[%add3A_32, %dma_wait3A_37] : memref<102400x128xf32, #tpu.memory_space<hbm>> -> memref<128x128xf32, #tpu.memory_space<hbm>>
      %dma_wait3A_39 = arith.constant 0 : i32
      %dma_wait3A_40 = tpu.memref_slice %arg4[%add3A_32, %dma_wait3A_39] : memref<102400x128xf32, #tpu.memory_space<hbm>> -> memref<128x128xf32, #tpu.memory_space<hbm>>
      tpu.wait_dma2 semaphore(%run_scoped3A : memref<!tpu.dma_semaphore, #tpu.memory_space<semaphore_mem>>) src(%arg6 : memref<128x128xf32, #tpu.memory_space<vmem>>) dst(%dma_wait3A_40 : memref<128x128xf32, #tpu.memory_space<hbm>>)
      tpu.yield
    }) : () -> ()
    return
  }
}

module attributes {stable_mosaic.version = 14 : i64} {
  func.func @_mlp_body(%arg0: i32, %arg1: memref<6400x128xf32, #tpu.memory_space<vmem>>, %arg2: memref<1x50x128xi32, #tpu.memory_space<vmem>>, %arg3: memref<8x64xf32, #tpu.memory_space<vmem>>, %arg4: memref<128x64xf32, #tpu.memory_space<vmem>>, %arg5: memref<1x64xf32, #tpu.memory_space<vmem>>, %arg6: memref<64x64xf32, #tpu.memory_space<vmem>>, %arg7: memref<1x64xf32, #tpu.memory_space<vmem>>, %arg8: memref<128x64xf32, #tpu.memory_space<vmem>>, %arg9: memref<6400x50xbf16, #tpu.memory_space<vmem>>, %arg10: memref<6400x128xf32, #tpu.memory_space<vmem>>, %arg11: memref<6400x8xf32, #tpu.memory_space<vmem>>, %arg12: memref<128x6400xbf16, #tpu.memory_space<vmem>>) attributes {dimension_semantics = [#tpu.dimension_semantics<arbitrary>], iteration_bounds = array<i64: 16>, scalar_prefetch = 0 : i64, scratch_operands = 4 : i64, tpu.core_type = #tpu.core_type<tc>, window_params = [{transform_indices = @transform_0, window_bounds = array<i64: 6400, 128>}, {transform_indices = @transform_1, window_bounds = array<i64: 1, 50, 128>}, {pipeline_mode = #tpu.pipeline_mode<synchronous>, transform_indices = @transform_2, window_bounds = array<i64: 8, 64>}, {pipeline_mode = #tpu.pipeline_mode<synchronous>, transform_indices = @transform_3, window_bounds = array<i64: 128, 64>}, {pipeline_mode = #tpu.pipeline_mode<synchronous>, transform_indices = @transform_4, window_bounds = array<i64: 1, 64>}, {pipeline_mode = #tpu.pipeline_mode<synchronous>, transform_indices = @transform_5, window_bounds = array<i64: 64, 64>}, {pipeline_mode = #tpu.pipeline_mode<synchronous>, transform_indices = @transform_6, window_bounds = array<i64: 1, 64>}, {transform_indices = @transform_7, window_bounds = array<i64: 128, 64>}]} {
    %eq3A = arith.constant 0 : i32
    %eq3A_0 = arith.cmpi eq, %arg0, %eq3A : i32
    %convert_element_type3A = arith.extui %eq3A_0 : i1 to i32
    %cond3A = arith.constant 0 : i32
    %cond3A_1 = arith.cmpi ne, %convert_element_type3A, %cond3A : i32
    scf.if %cond3A_1 {
      %iota3A = tpu.iota {dimensions = array<i32: 0>} : vector<6400x50xi32>
      %shift_right_arithmetic3A = arith.constant 7 : i32
      %shift_right_arithmetic3A_77 = vector.broadcast %shift_right_arithmetic3A : i32 to vector<6400x50xi32>
      %shift_right_arithmetic3A_78 = arith.shrsi %iota3A, %shift_right_arithmetic3A_77 : vector<6400x50xi32>
      %iota3A_79 = tpu.iota {dimensions = array<i32: 1>} : vector<6400x50xi32>
      %eq3A_80 = arith.cmpi eq, %shift_right_arithmetic3A_78, %iota3A_79 : vector<6400x50xi32>
      %convert_element_type3A_81 = arith.extui %eq3A_80 : vector<6400x50xi1> to vector<6400x50xi32>
      %convert_element_type3A_82 = arith.sitofp %convert_element_type3A_81 : vector<6400x50xi32> to vector<6400x50xf32>
      %convert_element_type3A_83 = arith.truncf %convert_element_type3A_82 : vector<6400x50xf32> to vector<6400x50xbf16>
      %swap3A_84 = arith.constant 0 : index
      %swap3A_85 = arith.constant 0 : index
      %swap3A_86 = vector.load %arg9[%swap3A_84, %swap3A_85] : memref<6400x50xbf16, #tpu.memory_space<vmem>>, vector<6400x50xbf16>
      tpu.vector_store %arg9[%swap3A_84, %swap3A_85], %convert_element_type3A_83 {strides = array<i32>} : memref<6400x50xbf16, #tpu.memory_space<vmem>>, vector<6400x50xbf16>,
      %iota3A_87 = tpu.iota {dimensions = array<i32: 0>} : vector<6400x128xi32>
      %and3A = arith.constant 127 : i32
      %and3A_88 = vector.broadcast %and3A : i32 to vector<6400x128xi32>
      %and3A_89 = arith.andi %iota3A_87, %and3A_88 : vector<6400x128xi32>
      %iota3A_90 = tpu.iota {dimensions = array<i32: 1>} : vector<6400x128xi32>
      %eq3A_91 = arith.cmpi eq, %and3A_89, %iota3A_90 : vector<6400x128xi32>
      %convert_element_type3A_92 = arith.extui %eq3A_91 : vector<6400x128xi1> to vector<6400x128xi32>
      %convert_element_type3A_93 = arith.sitofp %convert_element_type3A_92 : vector<6400x128xi32> to vector<6400x128xf32>
      %swap3A_94 = arith.constant 0 : index
      %swap3A_95 = arith.constant 0 : index
      %swap3A_96 = vector.load %arg10[%swap3A_94, %swap3A_95] : memref<6400x128xf32, #tpu.memory_space<vmem>>, vector<6400x128xf32>
      tpu.vector_store %arg10[%swap3A_94, %swap3A_95], %convert_element_type3A_93 {strides = array<i32>} : memref<6400x128xf32, #tpu.memory_space<vmem>>, vector<6400x128xf32>,
      %iota3A_97 = tpu.iota {dimensions = array<i32: 1>} : vector<6400x8xi32>
      %convert_element_type3A_98 = arith.sitofp %iota3A_97 : vector<6400x8xi32> to vector<6400x8xf32>
      %swap3A_99 = arith.constant 0 : index
      %swap3A_100 = arith.constant 0 : index
      %swap3A_101 = vector.load %arg11[%swap3A_99, %swap3A_100] : memref<6400x8xf32, #tpu.memory_space<vmem>>, vector<6400x8xf32>
      tpu.vector_store %arg11[%swap3A_99, %swap3A_100], %convert_element_type3A_98 {strides = array<i32>} : memref<6400x8xf32, #tpu.memory_space<vmem>>, vector<6400x8xf32>,
      %iota3A_102 = tpu.iota {dimensions = array<i32: 1>} : vector<128x6400xi32>
      %jit3A = arith.constant 50 : i32
      %div3A = vector.broadcast %jit3A : i32 to vector<128x6400xi32>
      %div3A_103 = arith.divsi %iota3A_102, %div3A : vector<128x6400xi32>
      %sign3A = arith.constant 0 : i32
      %sign3A_104 = vector.broadcast %sign3A : i32 to vector<128x6400xi32>
      %sign3A_105 = arith.cmpi sgt, %iota3A_102, %sign3A_104 : vector<128x6400xi32>
      %sign3A_106 = arith.extui %sign3A_105 : vector<128x6400xi1> to vector<128x6400xi32>
      %sign3A_107 = arith.constant 0 : i32
      %sign3A_108 = vector.broadcast %sign3A_107 : i32 to vector<128x6400xi32>
      %sign3A_109 = arith.cmpi slt, %iota3A_102, %sign3A_108 : vector<128x6400xi32>
      %sign3A_110 = arith.extui %sign3A_109 : vector<128x6400xi1> to vector<128x6400xi32>
      %sign3A_111 = arith.subi %sign3A_106, %sign3A_110 : vector<128x6400xi32>
      %sign3A_112 = arith.constant 0 : i32
      %sign3A_113 = arith.cmpi sgt, %jit3A, %sign3A_112 : i32
      %sign3A_114 = arith.extui %sign3A_113 : i1 to i32
      %sign3A_115 = arith.constant 0 : i32
      %sign3A_116 = arith.cmpi slt, %jit3A, %sign3A_115 : i32
      %sign3A_117 = arith.extui %sign3A_116 : i1 to i32
      %sign3A_118 = arith.subi %sign3A_114, %sign3A_117 : i32
      %ne3A = vector.broadcast %sign3A_118 : i32 to vector<128x6400xi32>
      %ne3A_119 = arith.cmpi ne, %sign3A_111, %ne3A : vector<128x6400xi32>
      %rem3A = vector.broadcast %jit3A : i32 to vector<128x6400xi32>
      %rem3A_120 = arith.remsi %iota3A_102, %rem3A : vector<128x6400xi32>
      %ne3A_121 = arith.constant 0 : i32
      %ne3A_122 = vector.broadcast %ne3A_121 : i32 to vector<128x6400xi32>
      %ne3A_123 = arith.cmpi ne, %rem3A_120, %ne3A_122 : vector<128x6400xi32>
      %and3A_124 = arith.andi %ne3A_119, %ne3A_123 : vector<128x6400xi1>
      %sub3A_125 = arith.constant 1 : i32
      %sub3A_126 = vector.broadcast %sub3A_125 : i32 to vector<128x6400xi32>
      %sub3A_127 = arith.subi %div3A_103, %sub3A_126 : vector<128x6400xi32>
      %select_n3A_128 = arith.select %and3A_124, %sub3A_127, %div3A_103 : vector<128x6400xi1>, vector<128x6400xi32>
      %iota3A_129 = tpu.iota {dimensions = array<i32: 0>} : vector<128x6400xi32>
      %eq3A_130 = arith.cmpi eq, %select_n3A_128, %iota3A_129 : vector<128x6400xi32>
      %convert_element_type3A_131 = arith.extui %eq3A_130 : vector<128x6400xi1> to vector<128x6400xi32>
      %convert_element_type3A_132 = arith.sitofp %convert_element_type3A_131 : vector<128x6400xi32> to vector<128x6400xf32>
      %convert_element_type3A_133 = arith.truncf %convert_element_type3A_132 : vector<128x6400xf32> to vector<128x6400xbf16>
      %swap3A_134 = arith.constant 0 : index
      %swap3A_135 = arith.constant 0 : index
      %swap3A_136 = vector.load %arg12[%swap3A_134, %swap3A_135] : memref<128x6400xbf16, #tpu.memory_space<vmem>>, vector<128x6400xbf16>
      tpu.vector_store %arg12[%swap3A_134, %swap3A_135], %convert_element_type3A_133 {strides = array<i32>} : memref<128x6400xbf16, #tpu.memory_space<vmem>>, vector<128x6400xbf16>,
    } else {
    }
    %get3A = arith.constant 0 : index
    %get3A_2 = arith.constant 0 : index
    %get3A_3 = arith.constant 0 : index
    %get3A_4 = vector.load %arg2[%get3A, %get3A_2, %get3A_3] : memref<1x50x128xi32, #tpu.memory_space<vmem>>, vector<1x50x128xi32>
    %get3A_5 = vector.shape_cast %get3A_4 : vector<1x50x128xi32> to vector<50x128xi32>
    %sub3A = arith.constant 1 : i32
    %sub3A_6 = vector.broadcast %sub3A : i32 to vector<50x128xi32>
    %sub3A_7 = arith.subi %get3A_5, %sub3A_6 : vector<50x128xi32>
    %lt3A = arith.constant 0 : i32
    %lt3A_8 = vector.broadcast %lt3A : i32 to vector<50x128xi32>
    %lt3A_9 = arith.cmpi slt, %sub3A_7, %lt3A_8 : vector<50x128xi32>
    %add3A = arith.constant 5 : i32
    %add3A_10 = vector.broadcast %add3A : i32 to vector<50x128xi32>
    %add3A_11 = arith.addi %sub3A_7, %add3A_10 : vector<50x128xi32>
    %select_n3A = arith.select %lt3A_9, %add3A_11, %sub3A_7 : vector<50x128xi1>, vector<50x128xi32>
    %convert_element_type3A_12 = arith.sitofp %select_n3A : vector<50x128xi32> to vector<50x128xbf16>
    %get3A_13 = arith.constant 0 : index
    %get3A_14 = arith.constant 0 : index
    %get3A_15 = vector.load %arg9[%get3A_13, %get3A_14] : memref<6400x50xbf16, #tpu.memory_space<vmem>>, vector<6400x50xbf16>
    %dot_general3A = arith.constant dense<0.000000e+00> : vector<6400x128xf32>
    %dot_general3A_16 = tpu.matmul %get3A_15, %convert_element_type3A_12, %dot_general3A {dimension_numbers = #tpu.dot_dimension_numbers<[1], [0], [0], [1], [0, 0, 1, 1], [], []>, transpose_lhs_hint = false} : vector<6400x50xbf16>, vector<50x128xbf16>, vector<6400x128xf32> -> vector<6400x128xf32>
    %get3A_17 = arith.constant 0 : index
    %get3A_18 = arith.constant 0 : index
    %get3A_19 = vector.load %arg10[%get3A_17, %get3A_18] : memref<6400x128xf32, #tpu.memory_space<vmem>>, vector<6400x128xf32>
    %mul3A = arith.mulf %dot_general3A_16, %get3A_19 : vector<6400x128xf32>
    %reduce_sum3A = arith.constant dense<0.000000e+00> : vector<6400xf32>
    %reduce_sum3A_20 = vector.multi_reduction <add>, %mul3A, %reduce_sum3A [1] : vector<6400x128xf32> to vector<6400xf32>
    %broadcast_in_dim3A = vector.shape_cast %reduce_sum3A_20 : vector<6400xf32> to vector<6400x1xf32>
    %get3A_21 = arith.constant 0 : index
    %get3A_22 = arith.constant 0 : index
    %get3A_23 = vector.load %arg11[%get3A_21, %get3A_22] : memref<6400x8xf32, #tpu.memory_space<vmem>>, vector<6400x8xf32>
    %eq3A_24 = vector.broadcast %broadcast_in_dim3A : vector<6400x1xf32> to vector<6400x8xf32>
    %eq3A_25 = arith.cmpf oeq, %eq3A_24, %get3A_23 : vector<6400x8xf32>
    %convert_element_type3A_26 = arith.extui %eq3A_25 : vector<6400x8xi1> to vector<6400x8xi32>
    %convert_element_type3A_27 = arith.sitofp %convert_element_type3A_26 : vector<6400x8xi32> to vector<6400x8xf32>
    %get3A_28 = arith.constant 0 : index
    %get3A_29 = arith.constant 0 : index
    %get3A_30 = vector.load %arg1[%get3A_28, %get3A_29] : memref<6400x128xf32, #tpu.memory_space<vmem>>, vector<6400x128xf32>
    %slice3A = vector.extract_strided_slice %get3A_30 {offsets = [0, 0], sizes = [6400, 64], strides = [1, 1]} : vector<6400x128xf32> to vector<6400x64xf32>
    %get3A_31 = arith.constant 0 : index
    %get3A_32 = arith.constant 0 : index
    %get3A_33 = vector.load %arg4[%get3A_31, %get3A_32] : memref<128x64xf32, #tpu.memory_space<vmem>>, vector<128x64xf32>
    %get3A_34 = arith.constant 0 : index
    %get3A_35 = arith.constant 0 : index
    %get3A_36 = vector.load %arg3[%get3A_34, %get3A_35] : memref<8x64xf32, #tpu.memory_space<vmem>>, vector<8x64xf32>
    %slice3A_37 = vector.extract_strided_slice %get3A_33 {offsets = [64, 0], sizes = [64, 64], strides = [1, 1]} : vector<128x64xf32> to vector<64x64xf32>
    %dot_general3A_38 = arith.constant dense<0.000000e+00> : vector<8x64xf32>
    %dot_general3A_39 = tpu.matmul %get3A_36, %slice3A_37, %dot_general3A_38 {dimension_numbers = #tpu.dot_dimension_numbers<[1], [0], [0], [1], [0, 0, 1, 1], [], []>, transpose_lhs_hint = false} : vector<8x64xf32>, vector<64x64xf32>, vector<8x64xf32> -> vector<8x64xf32>
    %get3A_40 = arith.constant 0 : index
    %get3A_41 = arith.constant 0 : index
    %get3A_42 = vector.load %arg5[%get3A_40, %get3A_41] : memref<1x64xf32, #tpu.memory_space<vmem>>, vector<1x64xf32>
    %add3A_43 = vector.broadcast %get3A_42 : vector<1x64xf32> to vector<8x64xf32>
    %add3A_44 = arith.addf %dot_general3A_39, %add3A_43 : vector<8x64xf32>
    %slice3A_45 = vector.extract_strided_slice %get3A_33 {offsets = [0, 0], sizes = [64, 64], strides = [1, 1]} : vector<128x64xf32> to vector<64x64xf32>
    %dot_general3A_46 = arith.constant dense<0.000000e+00> : vector<6400x64xf32>
    %dot_general3A_47 = tpu.matmul %slice3A, %slice3A_45, %dot_general3A_46 {dimension_numbers = #tpu.dot_dimension_numbers<[1], [0], [0], [1], [0, 0, 1, 1], [], []>, transpose_lhs_hint = false} : vector<6400x64xf32>, vector<64x64xf32>, vector<6400x64xf32> -> vector<6400x64xf32>
    %dot_general3A_48 = arith.constant dense<0.000000e+00> : vector<6400x64xf32>
    %dot_general3A_49 = tpu.matmul %convert_element_type3A_27, %add3A_44, %dot_general3A_48 {dimension_numbers = #tpu.dot_dimension_numbers<[1], [0], [0], [1], [0, 0, 1, 1], [], []>, transpose_lhs_hint = false} : vector<6400x8xf32>, vector<8x64xf32>, vector<6400x64xf32> -> vector<6400x64xf32>
    %add3A_50 = arith.addf %dot_general3A_47, %dot_general3A_49 : vector<6400x64xf32>
    %max3A = arith.constant 0.000000e+00 : f32
    %max3A_51 = vector.broadcast %max3A : f32 to vector<6400x64xf32>
    %max3A_52 = arith.maximumf %add3A_50, %max3A_51 : vector<6400x64xf32>
    %get3A_53 = arith.constant 0 : index
    %get3A_54 = arith.constant 0 : index
    %get3A_55 = vector.load %arg6[%get3A_53, %get3A_54] : memref<64x64xf32, #tpu.memory_space<vmem>>, vector<64x64xf32>
    %dot_general3A_56 = arith.constant dense<0.000000e+00> : vector<6400x64xf32>
    %dot_general3A_57 = tpu.matmul %max3A_52, %get3A_55, %dot_general3A_56 {dimension_numbers = #tpu.dot_dimension_numbers<[1], [0], [0], [1], [0, 0, 1, 1], [], []>, transpose_lhs_hint = false} : vector<6400x64xf32>, vector<64x64xf32>, vector<6400x64xf32> -> vector<6400x64xf32>
    %get3A_58 = arith.constant 0 : index
    %get3A_59 = arith.constant 0 : index
    %get3A_60 = vector.load %arg7[%get3A_58, %get3A_59] : memref<1x64xf32, #tpu.memory_space<vmem>>, vector<1x64xf32>
    %add3A_61 = vector.broadcast %get3A_60 : vector<1x64xf32> to vector<6400x64xf32>
    %add3A_62 = arith.addf %dot_general3A_57, %add3A_61 : vector<6400x64xf32>
    %max3A_63 = arith.constant 0.000000e+00 : f32
    %max3A_64 = vector.broadcast %max3A_63 : f32 to vector<6400x64xf32>
    %max3A_65 = arith.maximumf %add3A_62, %max3A_64 : vector<6400x64xf32>
    %get3A_66 = arith.constant 0 : index
    %get3A_67 = arith.constant 0 : index
    %get3A_68 = vector.load %arg12[%get3A_66, %get3A_67] : memref<128x6400xbf16, #tpu.memory_space<vmem>>, vector<128x6400xbf16>
    %convert_element_type3A_69 = arith.truncf %max3A_65 : vector<6400x64xf32> to vector<6400x64xbf16>
    %dot_general3A_70 = arith.constant dense<0.000000e+00> : vector<128x64xf32>
    %dot_general3A_71 = tpu.matmul %get3A_68, %convert_element_type3A_69, %dot_general3A_70 {dimension_numbers = #tpu.dot_dimension_numbers<[1], [0], [0], [1], [0, 0, 1, 1], [], []>, transpose_lhs_hint = false} : vector<128x6400xbf16>, vector<6400x64xbf16>, vector<128x64xf32> -> vector<128x64xf32>
    %mul3A_72 = arith.constant 2.000000e-02 : f32
    %mul3A_73 = vector.broadcast %mul3A_72 : f32 to vector<128x64xf32>
    %mul3A_74 = arith.mulf %dot_general3A_71, %mul3A_73 : vector<128x64xf32>
    %swap3A = arith.constant 0 : index
    %swap3A_75 = arith.constant 0 : index
    %swap3A_76 = vector.load %arg8[%swap3A, %swap3A_75] : memref<128x64xf32, #tpu.memory_space<vmem>>, vector<128x64xf32>
    tpu.vector_store %arg8[%swap3A, %swap3A_75], %mul3A_74 {strides = array<i32>} : memref<128x64xf32, #tpu.memory_space<vmem>>, vector<128x64xf32>,
    return
  }
  func.func @transform_0(%arg0: i32) -> (i32, i32) {
    %c0_i32 = arith.constant 0 : i32
    %c0_i32_0 = arith.constant 0 : i32
    return %arg0, %c0_i32 : i32, i32
  }
  func.func @transform_1(%arg0: i32) -> (i32, i32, i32) {
    %c0_i32 = arith.constant 0 : i32
    %c0_i32_0 = arith.constant 0 : i32
    %c0_i32_1 = arith.constant 0 : i32
    return %arg0, %c0_i32, %c0_i32_0 : i32, i32, i32
  }
  func.func @transform_2(%arg0: i32) -> (i32, i32) {
    %c0_i32 = arith.constant 0 : i32
    %c0_i32_0 = arith.constant 0 : i32
    %c0_i32_1 = arith.constant 0 : i32
    return %c0_i32, %c0_i32_0 : i32, i32
  }
  func.func @transform_3(%arg0: i32) -> (i32, i32) {
    %c0_i32 = arith.constant 0 : i32
    %c0_i32_0 = arith.constant 0 : i32
    %c0_i32_1 = arith.constant 0 : i32
    return %c0_i32, %c0_i32_0 : i32, i32
  }
  func.func @transform_4(%arg0: i32) -> (i32, i32) {
    %c0_i32 = arith.constant 0 : i32
    %c0_i32_0 = arith.constant 0 : i32
    %c0_i32_1 = arith.constant 0 : i32
    return %c0_i32, %c0_i32_0 : i32, i32
  }
  func.func @transform_5(%arg0: i32) -> (i32, i32) {
    %c0_i32 = arith.constant 0 : i32
    %c0_i32_0 = arith.constant 0 : i32
    %c0_i32_1 = arith.constant 0 : i32
    return %c0_i32, %c0_i32_0 : i32, i32
  }
  func.func @transform_6(%arg0: i32) -> (i32, i32) {
    %c0_i32 = arith.constant 0 : i32
    %c0_i32_0 = arith.constant 0 : i32
    %c0_i32_1 = arith.constant 0 : i32
    return %c0_i32, %c0_i32_0 : i32, i32
  }
  func.func @transform_7(%arg0: i32) -> (i32, i32) {
    %c0_i32 = arith.constant 0 : i32
    %c0_i32_0 = arith.constant 0 : i32
    return %arg0, %c0_i32 : i32, i32
  }
}

</mosaic_0001>

<sc_bundles>
// kernel: kernel.6.cloned.1.call-start
scs
__scs_entry_jumppad:
0x0: {  	(pc) =	sbr.rel $0x88, $3  }
0x1: {  	(tag) =	ssettag $0x0;
	lr =	simm.s32 $0x1  }
0x2: {  	[smem:$0x3F99] =	sst lr;
	_ =	strace $0xD0000000  }
0x3: {  	_ = 	snop  }
0x4: {  	_ = 	snop  }
0x5: {  	_ = 	snop  }
0x6: {  	_ = 	snop  }
0x7: {  	_ = 	snop  }
__scs_overlays_trampoline_lowered:
0x8: {  	[smem:$0x3FA8] =	sst s0  }
0x9: {  	[smem:$0x3FA9] =	sst s1  }
0xa: {  	[smem:$0x3FAA] =	sst s2  }
0xb: {  	[smem:$0x3FAB] =	sst s3  }
0xc: {  	[smem:$0x3FAC] =	sst s4  }
0xd: {  	[smem:$0x3FAD] =	sst s5  }
0xe: {  	[smem:$0x3FAE] =	sst s6  }
0xf: {  	[smem:$0x3FAF] =	sst s7  }
0x10: {  	[smem:$0x3FB0] =	sst s8  }
0x11: {  	[smem:$0x3FB1] =	sst s9;
	s0 =	simm.s32 @!p0 $0x0  }
0x12: {  	s1 =	sld [smem:$0x3F97];
	s0 =	simm.s32 @p0 $0x1  }
0x13: {  	[smem:$0x3FB2] =	sst s0;
	s0 =	simm.s32 @!p1 $0x0  }
0x14: {  	s2 =	sld [smem:$0x3F96];
	s0 =	simm.s32 @p1 $0x1  }
0x15: {  	[smem:$0x3FB3] =	sst s0;
	s0 =	simm.s32 @!p2 $0x0  }
0x16: {  	s3 =	sld [smem:$0x3FDB];
	s0 =	simm.s32 @p2 $0x1  }
0x17: {  	s4 =	simm.s32 $0x1BF5;
	[smem:$0x3FB5] =	sst s0  }
0x18: {  	s0 =	sld [smem:$0x3F98];
	_ =	swait.ge [sflag:s4], $0x0  }
0x19: {  	s7 =	sld [smem:$0x3F99]  }
0x1a: {  	s8 =	sadd.s32 $0xFFFFE003, lr  }
0x1b: {  	s9 =	sadd.s32 $0xFFFFFEF7, lr;
	s5 =	simm.s32 $0xFFFFFFFF;
	p2 =	slt.u32 s8, $0xFFFFF086  }
0x1c: {  	p1 =	slt.u32 s9, $0xF7A;
	s5 =	simm.s32 @!p2 $0x0  }
0x1d: {  	s5 =	simm.s32 @p1 $0x1;
	p0 =	seq.s32 s7, s2  }
0x1e: {  	s7 =	smul.u32 @!p0 $0xF7A, s2;
	p2 =	seq.s32 @!p0 s5, $0x0  }
0x1f: {  	s9 =	smul.u32 $0xF7A, s1;
	s8 =	simm.s32 @!p0 $0x1BF5;
	p2 =	por !p2, p0  }
0x20: {  	[sflag:s8] =	ssyncset.s32 @!p0 $0xFFFFF086;
	s6 =	sadd.s32 @!p0 s3, s7;
	s7 =	simm.s32 @!p0 $0x108  }
0x21: {  	s3 =	sadd.s32 s3, s9;
	s6 =	sadd.s32 @!p0 $0x88, s6;
	s7 =	simm.s32 @p2 $0x1082  }
0x22: {  	[simem:s7], [sflag:s8] =	dma.local @!p0 [hbm:s6], $0xF7A  }
0x23: {  	s9 =	sor.u32 $0xD0000000, s2;
	s6 =	simm.s32 $0x108;
	_ =	swait.ge @!p0 [sflag:s8], $0x0  }
0x24: {  	s3 =	sadd.s32 $0x88, s3;
	s6 =	simm.s32 @!p1 $0x1082;
	[sflag:s4] =	ssyncset.s32 $0xFFFFF086  }
0x25: {  	[simem:s6], [sflag:s4] =	dma.local [hbm:s3], $0xF7A  }
0x26: {  	[smem:$0x3F99] =	sst s1;
	(tag) =	ssettag s2;
	_ =	strace s9  }
0x27: {  	s1 =	sld [smem:$0x3FA9]  }
0x28: {  	s2 =	sld [smem:$0x3FAA]  }
0x29: {  	s4 =	sld [smem:$0x3FAC]  }
0x2a: {  	p0 =	seq.s32 s5, $0x0;
	s5 =	sld [smem:$0x3FAD]  }
0x2b: {  	s6 =	sld [smem:$0x3FAE]  }
0x2c: {  	s7 =	sld [smem:$0x3FAF]  }
0x2d: {  	s3 =	simm.s32 $0x108;
	s8 =	sld [smem:$0x3FB0]  }
0x2e: {  	s3 =	simm.s32 @!p0 $0x1082;
	s9 =	sld [smem:$0x3FB1]  }
0x2f: {  	lr =	sadd.s32 s0, s3;
	s0 =	sld [smem:$0x3FA8]  }
0x30: {  	s3 =	sld [smem:$0x3FAB]  }
0x31: {  	[smem:$0x3FB4] =	sst s10  }
0x32: {  	s10 =	sld [smem:$0x3FB2];
	_ =	sdelay $0x3  }
0x33: {  	p0 =	seq.s32 s10, $0x1;
	s10 =	sld [smem:$0x3FB4];
	_ =	sdelay $0x3  }
0x34: {  	[smem:$0x3FB4] =	sst s10  }
0x35: {  	s10 =	sld [smem:$0x3FB3];
	_ =	sdelay $0x3  }
0x36: {  	p1 =	seq.s32 s10, $0x1;
	s10 =	sld [smem:$0x3FB4];
	_ =	sdelay $0x3  }
0x37: {  	[smem:$0x3FB4] =	sst s10  }
0x38: {  	s10 =	sld [smem:$0x3FB5]  }
0x39: {  	_ = 	snop;
	(pc) =	sbr.ind lr, $3  }
0x3a: {  	_ = 	snop  }
0x3b: {  	_ = 	snop  }
0x3c: {  	p2 =	seq.s32 s10, $0x1;
	s10 =	sld [smem:$0x3FB4]  }
0x3d: {  	_ =	shalt  }
0x3e: {  	_ =	shalt  }
0x3f: {  	_ =	shalt  }
0x40: {  	_ =	shalt  }
0x41: {  	_ =	shalt  }
0x42: {  	_ =	shalt  }
0x43: {  	_ =	shalt  }
0x44: {  	_ =	shalt  }
0x45: {  	_ =	shalt  }
0x46: {  	_ =	shalt  }
0x47: {  	_ =	shalt  }
0x48: {  	_ =	shalt  }
0x49: {  	_ =	shalt  }
0x4a: {  	_ =	shalt  }
0x4b: {  	_ =	shalt  }
0x4c: {  	_ =	shalt  }
0x4d: {  	_ =	shalt  }
0x4e: {  	_ =	shalt  }
0x4f: {  	_ =	shalt  }
0x50: {  	_ =	shalt  }
0x51: {  	_ =	shalt  }
0x52: {  	_ =	shalt  }
0x53: {  	_ =	shalt  }
0x54: {  	_ =	shalt  }
0x55: {  	_ =	shalt  }
0x56: {  	_ =	shalt  }
0x57: {  	_ =	shalt  }
0x58: {  	_ =	shalt  }
0x59: {  	_ =	shalt  }
0x5a: {  	_ =	shalt  }
0x5b: {  	_ =	shalt  }
0x5c: {  	_ =	shalt  }
0x5d: {  	_ =	shalt  }
0x5e: {  	_ =	shalt  }
0x5f: {  	_ =	shalt  }
0x60: {  	_ =	shalt  }
0x61: {  	_ =	shalt  }
0x62: {  	_ =	shalt  }
0x63: {  	_ =	shalt  }
0x64: {  	_ =	shalt  }
0x65: {  	_ =	shalt  }
0x66: {  	_ =	shalt  }
0x67: {  	_ =	shalt  }
0x68: {  	_ =	shalt  }
0x69: {  	_ =	shalt  }
0x6a: {  	_ =	shalt  }
0x6b: {  	_ =	shalt  }
0x6c: {  	_ =	shalt  }
0x6d: {  	_ =	shalt  }
0x6e: {  	_ =	shalt  }
0x6f: {  	_ =	shalt  }
0x70: {  	_ =	shalt  }
0x71: {  	_ =	shalt  }
0x72: {  	_ =	shalt  }
0x73: {  	_ =	shalt  }
0x74: {  	_ =	shalt  }
0x75: {  	_ =	shalt  }
0x76: {  	_ =	shalt  }
0x77: {  	_ =	shalt  }
0x78: {  	_ =	shalt  }
0x79: {  	_ =	shalt  }
0x7a: {  	_ =	shalt  }
0x7b: {  	_ =	shalt  }
0x7c: {  	_ =	shalt  }
0x7d: {  	_ =	shalt  }
0x7e: {  	_ =	shalt  }
0x7f: {  	_ =	shalt  }
0x80: {  	_ =	shalt  }
0x81: {  	_ =	shalt  }
0x82: {  	_ =	shalt  }
0x83: {  	_ =	shalt  }
0x84: {  	_ =	shalt  }
0x85: {  	_ =	shalt  }
0x86: {  	_ =	shalt  }
0x87: {  	_ =	shalt  }
.Lfunc_end0:
.L_simem_size_0:
called_computation_lowered:
.L_overlay_start_0:
0x88: {  	s2 =	sld [smem:$0x3FD9]  }
0x89: {  	s3 =	sld [smem:$0x3FFE];
	_ =	sdelay $0x1  }
0x8a: {  	s1 =	srdreg.scid  }
0x8b: {  	s0 =	sand.u32 $0x1, s1  }
0x8c: {  	s17 =	sshll.u32 s0, $0xA;
	s2 =	sadd.s32 s3, s2  }
0x8d: {  	s2 =	sadd.s32 s2, s17  }
0x8e: {  	[smem:$0x3FC0] =	sst s2  }
0x8f: {  	_ = 	snop  }
0x90: {  	(tm) =	ssettm $0x1  }
0x91: {  	s18 =	sld [smem:$0x3FFB];
	_ =	sdelay $0x3  }
0x92: {  	_ =	strace s18  }
0x93: {  	s2 =	sld [smem:$0x3FFC];
	_ =	sdelay $0x3  }
0x94: {  	_ =	strace s2  }
0x95: {  	s2 =	sld [smem:$0x3FFD];
	_ =	sdelay $0x3  }
0x96: {  	_ =	strace s2  }
0x97: {  	_ =	strace $0x8FFFFFFF  }
0x98: {  	s19 =	sld [smem:$0x3FDB];
	_ =	sdelay $0x1  }
0x99: {  	s20 =	simm.s32 $_scs_section_size  }
0x9a: {  	s4 =	simm.s32 $_size__tile_overlayer_lowered;
	s5 =	simm.s32 $_tile_overlayer_lowered  }
0x9b: {  	s6 =	simm.s32 $0x1BFF;
	s21 =	sshll.u32 s5, $0x1;
	s3 =	sadd.s32 s20, s19  }
0x9c: {  	s22 =	simm.s32 $0x0;
	s4 =	sshll.u32 s4, $0x1;
	s5 =	sadd.s32 s21, s3  }
0x9d: {  	[timem:s22], [sflag:s6] =	dma.local [hbm:s5], s4  }
0x9e: {  	_ =	swait.ge [sflag:s6], s4  }
0x9f: {  	s4 =	ssub.s32 $0x0, s4;
	[sflag:s6] =	ssyncset.done $0x0  }
0xa0: {  	[sflag:s6] =	ssyncadd.s32 s4;
	_ =	sdelay $0x1  }
0xa1: {  	s23 =	simm.s32 $0x1B8B  }
0xa2: {  	_ =	swait.ge [sflag:s23], $0x1  }
0xa3: {  	[sflag:s23] =	ssyncset.done $0x0  }
0xa4: {  	[sflag:s23] =	ssyncadd.s32 $0xFFFFFFFF  }
0xa5: {  	s4 =	sld [smem:$0x0]  }
0xa6: {  	s5 =	sand.u32 $0xFFFFFFFE, s1  }
0xa7: {  	p0 =	sne.s32 s1, s5  }
0xa8: {  	s5 =	sshll.u32 @p0 s5, $0xE  }
0xa9: {  	s5 =	sadd.s32 @p0 $0x11B8D, s5;
	s6 =	sshll.u32 @p0 s4, $0x11  }
0xaa: {  	s5 =	sor.u32 @p0 s6, s5  }
0xab: {  	[sflag:s5] =	ssyncadd.remote.s32 @p0 $0x1;
	_ =	sdelay $0x1  }
0xac: {  	s5 =	simm.s32 @p0 $0x1B8D  }
0xad: {  	_ =	swait.eq @p0 [sflag:s5], $0x1  }
0xae: {  	[sflag:s5] =	ssyncadd.s32 @p0 $0xFFFFFFFF  }
0xaf: {  	s6 =	sshll.u32 @!p0 s1, $0xE  }
0xb0: {  	s6 =	sor.u32 @!p0 $0x4000, s6;
	s5 =	simm.s32 @!p0 $0x1B8D  }
0xb1: {  	s4 =	sshll.u32 @!p0 s4, $0x11;
	s6 =	sadd.s32 @!p0 $0x11B8D, s6;
	_ =	swait.eq @!p0 [sflag:s5], $0x1  }
0xb2: {  	s4 =	sor.u32 @!p0 s4, s6;
	[sflag:s5] =	ssyncadd.s32 @!p0 $0xFFFFFFFF  }
0xb3: {  	s25 =	simm.s32 $0x1B8E;
	s24 =	sld [smem:$0x3FFE];
	[sflag:s4] =	ssyncadd.remote.s32 @!p0 $0x1  }
0xb4: {  	s26 =	simm.s32 $execute0_lowered;
	[smem:$0x3FD2] =	sst s25  }
0xb5: {  	s5 =	sshll.u32 s26, $0x1;
	_ =	strace $0x80000049;
	[dreg:$0x1] =	wrdreg $0xFFFFFFFF  }
0xb6: {  	s28 =	simm.s32 $_size_execute0_lowered;
	s3 =	sadd.s32 s3, s5;
	[dreg:$0x0] =	wrdreg $0x0  }
0xb7: {  	s5 =	sshll.u32 s28, $0x1;
	[dreg:$0x2] =	wrdreg s3  }
0xb8: {  	[dreg:$0x3] =	wrdreg s5  }
0xb9: {  	[dreg:$0x4] =	wrdreg $0xC0  }
0xba: {  	_ =	task [dreg:s22], $0x5FFFF  }
0xbb: {  	[dreg:$0x1] =	wrdreg $0xFFFFFFFF  }
0xbc: {  	[dreg:$0x0] =	wrdreg $0x60  }
0xbd: {  	[dreg:$0x2] =	wrdreg s24  }
0xbe: {  	[dreg:$0x3] =	wrdreg $0x9  }
0xbf: {  	_ =	task.clear_ibuf [dreg:s22], $0x4FFFF;
	_ =	strace $0x90000049  }
0xc0: {  	s29 =	simm.s32 $0x9;
	_ =	strace $0x8000004B  }
0xc1: {  	_ =	swait.ge [sflag:s29], $0x1  }
0xc2: {  	[sflag:s29] =	ssyncadd.s32 $0xFFFFFFFF  }
0xc3: {  	_ =	strace $0x9000004B  }
0xc4: {  	_ =	sfence  }
0xc5: {  	s30 =	sld [smem:$0x0];
	_ =	sdelay $0x2  }
0xc6: {  	s31 =	sshll.u32 s1, $0xD;
	s1 =	sshrl.u32 s1, $0x2  }
0xc7: {  	s4 =	sand.u32 $0x4000, s31;
	s1 =	sadd.s32 s1, s30  }
0xc8: {  	s0 =	sor.u32 s4, s0;
	s1 =	sshll.u32 s1, $0x11  }
0xc9: {  	s0 =	sor.u32 s1, s0  }
0xca: {  	s0 =	sadd.s32 $0x8F2B, s0  }
0xcb: {  	[sflag:s0] =	ssyncadd.remote.s32 $0x1  }
0xcc: {  	_ =	sfence.sel $0xFFFF  }
0xcd: {  	[dreg:$0x0] =	wrdreg $0xFFFFFFFF;
	(pc) =	sbr.abs _section_cstart, $3  }
0xce: {  	[dreg:$0x1] =	wrdreg $0xFFFFFFFF  }
0xcf: {  	_ =	task.clear_ibuf [dreg:s22], $0x2FFFF;
	_ =	strace $0x9FFFFFFF  }
0xd0: {  	(tm) =	ssettm $0x7FFFFFFF  }
0xd1: {  	_ =	shalt  }
tec
execute0_lowered:
.L_overlay_start_1:
0x0: {  	(tag) =	ssettag $0x1  }
0x1: {  	s0 =	srdreg.scid  }
0x2: {  	s9 =	stileid.u32;
	s4 =	rddreg [dreg:$0x0];
	s2 =	simm.s32 $0x0  }
0x3: {  	s15 =	simm.s32 $0x5;
	s16 =	simm.s32 $0x80;
	s17 =	simm.s32 $0xC80  }
0x4: {  	s18 =	simm.s32 $0x4C80;
	s20 =	simm.s32 $0x8C80;
	s21 =	simm.s32 $0x180  }
0x5: {  	s22 =	simm.s32 $0xCC80;
	s23 =	simm.s32 $0x1;
	s24 =	simm.s32 $0x2  }
0x6: {  	s25 =	simm.s32 $0x3;
	s26 =	simm.s32 $0x4;
	s10 =	smul.u32 $0xC8000, s9  }
0x7: {  	s0 =	sand.u32 $0x1, s0;
	s1 =	sshll.u32 s9, $0x1;
	s9 =	smul.u32 $0x1900, s9  }
0x8: {  	s28 =	simm.s32 $0xC00;
	s29 =	simm.s32 $0x0;
	s12 =	smul.u32 $0xC80, s0  }
0x9: {  	s1 =	sor.u32 s0, s1;
	s30 =	ssub.s32 $0x2, s0;
	s0 =	smul.u32 $0x64000, s0  }
0xa: {  	[smem:$0x7FF] =	sst s2;
	s11 =	sadd.s32 $0x49F000, s4;
	s3 =	smul.u32 $0xC80, s1  }
0xb: {  	_ =	strace $0x8000004A;
	s6 =	smul.u32 $0x64000, s1;
	s7 =	sshrl.u32 s30, $0x1  }
0xc: {  	s1 =	smul.u32 $0xC800, s1;
	s7 =	ssub.s32 s30, s7;
	s12 =	sadd.s32 s12, s9  }
0xd: {  	s0 =	sadd.s32 s0, s10;
	s5 =	sshrl.u32 s3, $0x3;
	s3 =	sadd.s32 $0x188600, s4  }
0xe: {  	s6 =	sshrl.u32 s6, $0x3;
	s1 =	sadd.s32 s11, s1;
	s12 =	sshll.u32 s12, $0x4  }
0xf: {  	s0 =	sshrl.u32 s0, $0x3;
	s5 =	sadd.s32 s5, s4;
	s8 =	sadd.s32 s11, s6  }
0x10: {  	s6 =	smax.u32 s7, $0x1;
	s9 =	sadd.s32 $0xB000, s1;
	s10 =	sadd.s32 $0xB800, s1  }
0x11: {  	s31 =	sadd.s32 s11, s12;
	s11 =	sadd.s32 s0, s11;
	s4 =	sadd.s32 $0x1C00, s5  }
0x12: {  	s5 =	sadd.s32 $0xC000, s8;
	s7 =	sadd.s32 $0xA000, s8;
	s8 =	sadd.s32 $0xA800, s1  }
0x13: {  	s12 =	sadd.s32 $0x1800, s31;
	s13 =	sadd.s32 $0x1000, s31;
	s14 =	sadd.s32 $0x800, s31  }
.LBB2_1:
0x14: {  	[tilespmem:s2], [sflag:$0x5] =	stream.linear.gather [hbm4b:s4+s2], $0xC80, $0x38;
	[tilespmem:$0x10C80] =	vst v63  }
0x15: {  	_ =	swait.ge [sflag:s15], $0xC80  }
0x16: {  	[sflag:s15] =	ssyncset.done $0x0  }
0x17: {  	[sflag:s15] =	ssyncadd.s32 $0xFFFFF380  }
0x18: {  	[tilespmem:s17], [sflag:$0x1] =	stream.indirect.gather [hbm4b:s3+s16], $0x80, s2, s16, $0xb8;
	[tilespmem:$0x10C80] =	vst v63  }
0x19: {  	_ = 	snop  }
0x1a: {  	[tilespmem:s18], [sflag:$0x2] =	stream.indirect.gather [hbm4b:s3+s16], $0x80, s16, s16, $0xb8;
	[tilespmem:$0x10C80] =	vst v63  }
0x1b: {  	s0 =	simm.s32 $0x100  }
0x1c: {  	[tilespmem:s20], [sflag:$0x3] =	stream.indirect.gather [hbm4b:s3+s16], $0x80, s0, s16, $0xb8;
	[tilespmem:$0x10C80] =	vst v63  }
0x1d: {  	_ = 	snop  }
0x1e: {  	[tilespmem:s22], [sflag:$0x4] =	stream.indirect.gather [hbm4b:s3+s16], $0x80, s21, s16, $0xb8;
	[tilespmem:$0x10C80] =	vst v63  }
0x1f: {  	_ =	swait.ge [sflag:s23], $0x4000  }
0x20: {  	[sflag:s23] =	ssyncset.done $0x0  }
0x21: {  	s19 =	sadd.s32 $0x0, s11;
	[sflag:s23] =	ssyncadd.s32 $0xFFFFC000  }
0x22: {  	[hbm4b:s19+s2] =	stream.linear.scatter [tilespmem:s17], [sflag:$0x5], $0x4000, $0x38;
	[tilespmem:$0x10C80] =	vst v63  }
0x23: {  	_ =	swait.ge [sflag:s15], $0x4000  }
0x24: {  	[sflag:s15] =	ssyncset.done $0x0  }
0x25: {  	s1 =	simm.s32 $0x200;
	[sflag:s15] =	ssyncadd.s32 $0xFFFFC000  }
0x26: {  	[tilespmem:s17], [sflag:$0x1] =	stream.indirect.gather [hbm4b:s3+s16], $0x80, s1, s16, $0xb8;
	[tilespmem:$0x10C80] =	vst v63  }
0x27: {  	_ =	swait.ge [sflag:s24], $0x4000  }
0x28: {  	[sflag:s24] =	ssyncset.done $0x0  }
0x29: {  	s19 =	sadd.s32 $0x0, s14;
	[sflag:s24] =	ssyncadd.s32 $0xFFFFC000  }
0x2a: {  	[hbm4b:s19+s2] =	stream.linear.scatter [tilespmem:s18], [sflag:$0x5], $0x4000, $0x38;
	[tilespmem:$0x10C80] =	vst v63  }
0x2b: {  	_ =	swait.ge [sflag:s15], $0x4000  }
0x2c: {  	[sflag:s15] =	ssyncset.done $0x0  }
0x2d: {  	s1 =	simm.s32 $0x280;
	[sflag:s15] =	ssyncadd.s32 $0xFFFFC000  }
0x2e: {  	[tilespmem:s18], [sflag:$0x2] =	stream.indirect.gather [hbm4b:s3+s16], $0x80, s1, s16, $0xb8;
	[tilespmem:$0x10C80] =	vst v63  }
0x2f: {  	_ =	swait.ge [sflag:s25], $0x4000  }
0x30: {  	[sflag:s25] =	ssyncset.done $0x0  }
0x31: {  	s19 =	sadd.s32 $0x0, s13;
	[sflag:s25] =	ssyncadd.s32 $0xFFFFC000  }
0x32: {  	[hbm4b:s19+s2] =	stream.linear.scatter [tilespmem:s20], [sflag:$0x5], $0x4000, $0x38;
	[tilespmem:$0x10C80] =	vst v63  }
0x33: {  	_ =	swait.ge [sflag:s15], $0x4000  }
0x34: {  	[sflag:s15] =	ssyncset.done $0x0  }
0x35: {  	s1 =	simm.s32 $0x300;
	[sflag:s15] =	ssyncadd.s32 $0xFFFFC000  }
0x36: {  	[tilespmem:s20], [sflag:$0x3] =	stream.indirect.gather [hbm4b:s3+s16], $0x80, s1, s16, $0xb8;
	[tilespmem:$0x10C80] =	vst v63  }
0x37: {  	_ =	swait.ge [sflag:s26], $0x4000  }
0x38: {  	[sflag:s26] =	ssyncset.done $0x0  }
0x39: {  	s19 =	sadd.s32 $0x0, s12;
	[sflag:s26] =	ssyncadd.s32 $0xFFFFC000  }
0x3a: {  	[hbm4b:s19+s2] =	stream.linear.scatter [tilespmem:s22], [sflag:$0x5], $0x4000, $0x38;
	[tilespmem:$0x10C80] =	vst v63  }
0x3b: {  	_ =	swait.ge [sflag:s15], $0x4000  }
0x3c: {  	s30 =	simm.s32 $0x380;
	[sflag:s15] =	ssyncset.done $0x0  }
0x3d: {  	s31 =	simm.s32 $0x2000;
	s1 =	simm.s32 $0x580;
	[sflag:s15] =	ssyncadd.s32 $0xFFFFC000  }
.LBB2_2:
0x3e: {  	[tilespmem:s22], [sflag:$0x4] =	stream.indirect.gather [hbm4b:s3+s16], $0x80, s30, s16, $0xb8;
	[tilespmem:$0x10C80] =	vst v63  }
0x3f: {  	s0 =	smov.u32 s31;
	s30 =	smov.u32 s1  }
0x40: {  	p0 =	sne.s32 s31, $0x8000;
	s31 =	sadd.s32 $0x2000, s31;
	_ =	swait.ge [sflag:s23], $0x4000  }
0x41: {  	[sflag:s23] =	ssyncset.done $0x0  }
0x42: {  	s19 =	sadd.s32 s0, s11;
	[sflag:s23] =	ssyncadd.s32 $0xFFFFC000  }
0x43: {  	[hbm4b:s19+s2] =	stream.linear.scatter [tilespmem:s17], [sflag:$0x5], $0x4000, $0x38;
	[tilespmem:$0x10C80] =	vst v63  }
0x44: {  	_ =	swait.ge [sflag:s15], $0x4000  }
0x45: {  	[sflag:s15] =	ssyncset.done $0x0  }
0x46: {  	s19 =	sadd.s32 $0xFFFFFE80, s1;
	[sflag:s15] =	ssyncadd.s32 $0xFFFFC000  }
0x47: {  	[tilespmem:s17], [sflag:$0x1] =	stream.indirect.gather [hbm4b:s3+s16], $0x80, s19, s16, $0xb8;
	[tilespmem:$0x10C80] =	vst v63  }
0x48: {  	_ =	swait.ge [sflag:s24], $0x4000  }
0x49: {  	[sflag:s24] =	ssyncset.done $0x0  }
0x4a: {  	s19 =	sadd.s32 s0, s14;
	[sflag:s24] =	ssyncadd.s32 $0xFFFFC000  }
0x4b: {  	[hbm4b:s19+s2] =	stream.linear.scatter [tilespmem:s18], [sflag:$0x5], $0x4000, $0x38;
	[tilespmem:$0x10C80] =	vst v63  }
0x4c: {  	_ =	swait.ge [sflag:s15], $0x4000  }
0x4d: {  	[sflag:s15] =	ssyncset.done $0x0  }
0x4e: {  	s19 =	sadd.s32 $0xFFFFFF00, s1;
	[sflag:s15] =	ssyncadd.s32 $0xFFFFC000  }
0x4f: {  	[tilespmem:s18], [sflag:$0x2] =	stream.indirect.gather [hbm4b:s3+s16], $0x80, s19, s16, $0xb8;
	[tilespmem:$0x10C80] =	vst v63  }
0x50: {  	_ =	swait.ge [sflag:s25], $0x4000  }
0x51: {  	[sflag:s25] =	ssyncset.done $0x0  }
0x52: {  	s19 =	sadd.s32 s0, s13;
	[sflag:s25] =	ssyncadd.s32 $0xFFFFC000  }
0x53: {  	[hbm4b:s19+s2] =	stream.linear.scatter [tilespmem:s20], [sflag:$0x5], $0x4000, $0x38;
	[tilespmem:$0x10C80] =	vst v63  }
0x54: {  	_ =	swait.ge [sflag:s15], $0x4000  }
0x55: {  	[sflag:s15] =	ssyncset.done $0x0  }
0x56: {  	s19 =	sadd.s32 $0xFFFFFF80, s1;
	[sflag:s15] =	ssyncadd.s32 $0xFFFFC000  }
0x57: {  	[tilespmem:s20], [sflag:$0x3] =	stream.indirect.gather [hbm4b:s3+s16], $0x80, s19, s16, $0xb8;
	[tilespmem:$0x10C80] =	vst v63  }
0x58: {  	_ =	swait.ge [sflag:s26], $0x4000  }
0x59: {  	[sflag:s26] =	ssyncset.done $0x0  }
.Ltmp0:
0x5a: {  	s0 =	sadd.s32 s0, s12;
	[sflag:s26] =	ssyncadd.s32 $0xFFFFC000;
	(pc) =	sbr.rel @p0 .LBB2_2-.Ltmp0, $4  }
0x5b: {  	[hbm4b:s0+s2] =	stream.linear.scatter [tilespmem:s22], [sflag:$0x5], $0x4000, $0x38;
	[tilespmem:$0x10C80] =	vst v63  }
0x5c: {  	_ =	swait.ge [sflag:s15], $0x4000  }
0x5d: {  	[sflag:s15] =	ssyncset.done $0x0  }
0x5e: {  	s1 =	sadd.s32 $0x200, s1;
	[sflag:s15] =	ssyncadd.s32 $0xFFFFC000  }
0x5f: {  	[tilespmem:s22], [sflag:$0x4] =	stream.indirect.gather [hbm4b:s3+s16], $0x80, s30, s16, $0xb8;
	[tilespmem:$0x10C80] =	vst v63  }
0x60: {  	_ =	swait.ge [sflag:s23], $0x4000  }
0x61: {  	[sflag:s23] =	ssyncset.done $0x0  }
0x62: {  	[sflag:s23] =	ssyncadd.s32 $0xFFFFC000  }
0x63: {  	[hbm4b:s7+s2] =	stream.linear.scatter [tilespmem:s17], [sflag:$0x5], $0x4000, $0x38;
	[tilespmem:$0x10C80] =	vst v63  }
0x64: {  	_ =	swait.ge [sflag:s15], $0x4000  }
0x65: {  	[sflag:s15] =	ssyncset.done $0x0  }
0x66: {  	[sflag:s15] =	ssyncadd.s32 $0xFFFFC000  }
0x67: {  	[tilespmem:s17], [sflag:$0x1] =	stream.indirect.gather [hbm4b:s3+s16], $0x80, s28, s16, $0xb8;
	[tilespmem:$0x10C80] =	vst v63  }
0x68: {  	_ =	swait.ge [sflag:s24], $0x4000  }
0x69: {  	[sflag:s24] =	ssyncset.done $0x0  }
0x6a: {  	[sflag:s24] =	ssyncadd.s32 $0xFFFFC000  }
0x6b: {  	[hbm4b:s8+s2] =	stream.linear.scatter [tilespmem:s18], [sflag:$0x5], $0x4000, $0x38;
	[tilespmem:$0x10C80] =	vst v63  }
0x6c: {  	_ =	swait.ge [sflag:s15], $0x4000  }
0x6d: {  	[sflag:s15] =	ssyncset.done $0x0  }
0x6e: {  	[sflag:s15] =	ssyncadd.s32 $0xFFFFC000  }
0x6f: {  	_ =	swait.ge [sflag:s25], $0x4000  }
0x70: {  	[sflag:s25] =	ssyncset.done $0x0  }
0x71: {  	[sflag:s25] =	ssyncadd.s32 $0xFFFFC000  }
0x72: {  	[hbm4b:s9+s2] =	stream.linear.scatter [tilespmem:s20], [sflag:$0x5], $0x4000, $0x38;
	[tilespmem:$0x10C80] =	vst v63  }
0x73: {  	_ =	swait.ge [sflag:s15], $0x4000  }
0x74: {  	[sflag:s15] =	ssyncset.done $0x0  }
0x75: {  	[sflag:s15] =	ssyncadd.s32 $0xFFFFC000  }
0x76: {  	_ =	swait.ge [sflag:s26], $0x4000  }
0x77: {  	[sflag:s26] =	ssyncset.done $0x0  }
0x78: {  	[sflag:s26] =	ssyncadd.s32 $0xFFFFC000  }
0x79: {  	[hbm4b:s10+s2] =	stream.linear.scatter [tilespmem:s22], [sflag:$0x5], $0x4000, $0x38;
	[tilespmem:$0x10C80] =	vst v63  }
0x7a: {  	_ =	swait.ge [sflag:s15], $0x4000  }
0x7b: {  	[sflag:s15] =	ssyncset.done $0x0  }
0x7c: {  	[sflag:s15] =	ssyncadd.s32 $0xFFFFC000  }
0x7d: {  	s29 =	sadd.s32 $0x1, s29;
	_ =	swait.ge [sflag:s23], $0x4000  }
0x7e: {  	p0 =	sne.s32 s29, s6;
	[sflag:s23] =	ssyncset.done $0x0  }
.Ltmp1:
0x7f: {  	[sflag:s23] =	ssyncadd.s32 $0xFFFFC000;
	(pc) =	sbr.rel @p0 .LBB2_1-.Ltmp1, $4  }
0x80: {  	[hbm4b:s5+s2] =	stream.linear.scatter [tilespmem:s17], [sflag:$0x5], $0x4000, $0x38;
	[tilespmem:$0x10C80] =	vst v63  }
0x81: {  	_ =	swait.ge [sflag:s15], $0x4000  }
0x82: {  	[sflag:s15] =	ssyncset.done $0x0  }
0x83: {  	[sflag:s15] =	ssyncadd.s32 $0xFFFFC000  }
0x84: {  	_ =	sfence.sel $0x180000  }
0x85: {  	[bflag:$0x0] =	sbarrier.arrive $0xFFFF  }
0x86: {  	_ =	strace $0x9000004A  }
0x87: {  	s0 =	stileid.u32;
	[bflag:$0x2] =	sbarrier.arrive $0xFFFF  }
0x88: {  	p0 =	sne.s32 s0, $0x0;
	s0 =	rddreg [dreg:$0x1]  }
0x89: {  	s0 =	sadd.s32 @!p0 $0x100000, s0  }
0x8a: {  	[sflag:s0] =	ssyncadd.tile.s32 @!p0 $0x1;
	_ =	shalt  }
.Lfunc_end2:
_tile_overlayer_lowered:
.L_overlay_start_2:
0x8b: {  	(tag) =	ssettag $0x2  }
0x8c: {  	s0 =	rddreg [dreg:$0x0];
	s2 =	stileid.u32  }
0x8d: {  	s1 =	rddreg [dreg:$0x1];
	p0 =	sne.s32 s2, $0x0  }
0x8e: {  	s3 =	rddreg [dreg:$0x2];
	[bflag:$0x3] =	sbarrier.arrive $0xFFFF;
	s2 =	simm.s32 @!p0 $0x1C05  }
0x8f: {  	[timem:s3], [sflag:s2] =	dma.local @!p0 [hbm:s0], s1  }
0x90: {  	s0 =	simm.s32 @!p0 $0x5  }
0x91: {  	_ =	swait.ge @!p0 [sflag:s0], s1  }
0x92: {  	s1 =	ssub.s32 @!p0 $0x0, s1;
	[sflag:s0] =	ssyncset.done @!p0 $0x0  }
0x93: {  	[sflag:s0] =	ssyncadd.s32 @!p0 s1  }
0x94: {  	[bflag:$0x3] =	sbarrier.arrive $0xFFFF  }
0x95: {  	_ =	shalt  }

// kernel: kernel.9.cloned.1.call-start
scs
__scs_entry_jumppad:
0x0: {  	(pc) =	sbr.rel $0x88, $3  }
0x1: {  	(tag) =	ssettag $0x0;
	lr =	simm.s32 $0x1  }
0x2: {  	[smem:$0x3F99] =	sst lr;
	_ =	strace $0xD0000000  }
0x3: {  	_ = 	snop  }
0x4: {  	_ = 	snop  }
0x5: {  	_ = 	snop  }
0x6: {  	_ = 	snop  }
0x7: {  	_ = 	snop  }
__scs_overlays_trampoline_lowered:
0x8: {  	[smem:$0x3FA8] =	sst s0  }
0x9: {  	[smem:$0x3FA9] =	sst s1  }
0xa: {  	[smem:$0x3FAA] =	sst s2  }
0xb: {  	[smem:$0x3FAB] =	sst s3  }
0xc: {  	[smem:$0x3FAC] =	sst s4  }
0xd: {  	[smem:$0x3FAD] =	sst s5  }
0xe: {  	[smem:$0x3FAE] =	sst s6  }
0xf: {  	[smem:$0x3FAF] =	sst s7  }
0x10: {  	[smem:$0x3FB0] =	sst s8  }
0x11: {  	[smem:$0x3FB1] =	sst s9;
	s0 =	simm.s32 @!p0 $0x0  }
0x12: {  	s1 =	sld [smem:$0x3F97];
	s0 =	simm.s32 @p0 $0x1  }
0x13: {  	[smem:$0x3FB2] =	sst s0;
	s0 =	simm.s32 @!p1 $0x0  }
0x14: {  	s2 =	sld [smem:$0x3F96];
	s0 =	simm.s32 @p1 $0x1  }
0x15: {  	[smem:$0x3FB3] =	sst s0;
	s0 =	simm.s32 @!p2 $0x0  }
0x16: {  	s3 =	sld [smem:$0x3FDB];
	s0 =	simm.s32 @p2 $0x1  }
0x17: {  	s4 =	simm.s32 $0x1BF5;
	[smem:$0x3FB5] =	sst s0  }
0x18: {  	s0 =	sld [smem:$0x3F98];
	_ =	swait.ge [sflag:s4], $0x0  }
0x19: {  	s7 =	sld [smem:$0x3F99]  }
0x1a: {  	s8 =	sadd.s32 $0xFFFFE003, lr  }
0x1b: {  	s9 =	sadd.s32 $0xFFFFFEF7, lr;
	s5 =	simm.s32 $0xFFFFFFFF;
	p2 =	slt.u32 s8, $0xFFFFF086  }
0x1c: {  	p1 =	slt.u32 s9, $0xF7A;
	s5 =	simm.s32 @!p2 $0x0  }
0x1d: {  	s5 =	simm.s32 @p1 $0x1;
	p0 =	seq.s32 s7, s2  }
0x1e: {  	s7 =	smul.u32 @!p0 $0xF7A, s2;
	p2 =	seq.s32 @!p0 s5, $0x0  }
0x1f: {  	s9 =	smul.u32 $0xF7A, s1;
	s8 =	simm.s32 @!p0 $0x1BF5;
	p2 =	por !p2, p0  }
0x20: {  	[sflag:s8] =	ssyncset.s32 @!p0 $0xFFFFF086;
	s6 =	sadd.s32 @!p0 s3, s7;
	s7 =	simm.s32 @!p0 $0x108  }
0x21: {  	s3 =	sadd.s32 s3, s9;
	s6 =	sadd.s32 @!p0 $0x88, s6;
	s7 =	simm.s32 @p2 $0x1082  }
0x22: {  	[simem:s7], [sflag:s8] =	dma.local @!p0 [hbm:s6], $0xF7A  }
0x23: {  	s9 =	sor.u32 $0xD0000000, s2;
	s6 =	simm.s32 $0x108;
	_ =	swait.ge @!p0 [sflag:s8], $0x0  }
0x24: {  	s3 =	sadd.s32 $0x88, s3;
	s6 =	simm.s32 @!p1 $0x1082;
	[sflag:s4] =	ssyncset.s32 $0xFFFFF086  }
0x25: {  	[simem:s6], [sflag:s4] =	dma.local [hbm:s3], $0xF7A  }
0x26: {  	[smem:$0x3F99] =	sst s1;
	(tag) =	ssettag s2;
	_ =	strace s9  }
0x27: {  	s1 =	sld [smem:$0x3FA9]  }
0x28: {  	s2 =	sld [smem:$0x3FAA]  }
0x29: {  	s4 =	sld [smem:$0x3FAC]  }
0x2a: {  	p0 =	seq.s32 s5, $0x0;
	s5 =	sld [smem:$0x3FAD]  }
0x2b: {  	s6 =	sld [smem:$0x3FAE]  }
0x2c: {  	s7 =	sld [smem:$0x3FAF]  }
0x2d: {  	s3 =	simm.s32 $0x108;
	s8 =	sld [smem:$0x3FB0]  }
0x2e: {  	s3 =	simm.s32 @!p0 $0x1082;
	s9 =	sld [smem:$0x3FB1]  }
0x2f: {  	lr =	sadd.s32 s0, s3;
	s0 =	sld [smem:$0x3FA8]  }
0x30: {  	s3 =	sld [smem:$0x3FAB]  }
0x31: {  	[smem:$0x3FB4] =	sst s10  }
0x32: {  	s10 =	sld [smem:$0x3FB2];
	_ =	sdelay $0x3  }
0x33: {  	p0 =	seq.s32 s10, $0x1;
	s10 =	sld [smem:$0x3FB4];
	_ =	sdelay $0x3  }
0x34: {  	[smem:$0x3FB4] =	sst s10  }
0x35: {  	s10 =	sld [smem:$0x3FB3];
	_ =	sdelay $0x3  }
0x36: {  	p1 =	seq.s32 s10, $0x1;
	s10 =	sld [smem:$0x3FB4];
	_ =	sdelay $0x3  }
0x37: {  	[smem:$0x3FB4] =	sst s10  }
0x38: {  	s10 =	sld [smem:$0x3FB5]  }
0x39: {  	_ = 	snop;
	(pc) =	sbr.ind lr, $3  }
0x3a: {  	_ = 	snop  }
0x3b: {  	_ = 	snop  }
0x3c: {  	p2 =	seq.s32 s10, $0x1;
	s10 =	sld [smem:$0x3FB4]  }
0x3d: {  	_ =	shalt  }
0x3e: {  	_ =	shalt  }
0x3f: {  	_ =	shalt  }
0x40: {  	_ =	shalt  }
0x41: {  	_ =	shalt  }
0x42: {  	_ =	shalt  }
0x43: {  	_ =	shalt  }
0x44: {  	_ =	shalt  }
0x45: {  	_ =	shalt  }
0x46: {  	_ =	shalt  }
0x47: {  	_ =	shalt  }
0x48: {  	_ =	shalt  }
0x49: {  	_ =	shalt  }
0x4a: {  	_ =	shalt  }
0x4b: {  	_ =	shalt  }
0x4c: {  	_ =	shalt  }
0x4d: {  	_ =	shalt  }
0x4e: {  	_ =	shalt  }
0x4f: {  	_ =	shalt  }
0x50: {  	_ =	shalt  }
0x51: {  	_ =	shalt  }
0x52: {  	_ =	shalt  }
0x53: {  	_ =	shalt  }
0x54: {  	_ =	shalt  }
0x55: {  	_ =	shalt  }
0x56: {  	_ =	shalt  }
0x57: {  	_ =	shalt  }
0x58: {  	_ =	shalt  }
0x59: {  	_ =	shalt  }
0x5a: {  	_ =	shalt  }
0x5b: {  	_ =	shalt  }
0x5c: {  	_ =	shalt  }
0x5d: {  	_ =	shalt  }
0x5e: {  	_ =	shalt  }
0x5f: {  	_ =	shalt  }
0x60: {  	_ =	shalt  }
0x61: {  	_ =	shalt  }
0x62: {  	_ =	shalt  }
0x63: {  	_ =	shalt  }
0x64: {  	_ =	shalt  }
0x65: {  	_ =	shalt  }
0x66: {  	_ =	shalt  }
0x67: {  	_ =	shalt  }
0x68: {  	_ =	shalt  }
0x69: {  	_ =	shalt  }
0x6a: {  	_ =	shalt  }
0x6b: {  	_ =	shalt  }
0x6c: {  	_ =	shalt  }
0x6d: {  	_ =	shalt  }
0x6e: {  	_ =	shalt  }
0x6f: {  	_ =	shalt  }
0x70: {  	_ =	shalt  }
0x71: {  	_ =	shalt  }
0x72: {  	_ =	shalt  }
0x73: {  	_ =	shalt  }
0x74: {  	_ =	shalt  }
0x75: {  	_ =	shalt  }
0x76: {  	_ =	shalt  }
0x77: {  	_ =	shalt  }
0x78: {  	_ =	shalt  }
0x79: {  	_ =	shalt  }
0x7a: {  	_ =	shalt  }
0x7b: {  	_ =	shalt  }
0x7c: {  	_ =	shalt  }
0x7d: {  	_ =	shalt  }
0x7e: {  	_ =	shalt  }
0x7f: {  	_ =	shalt  }
0x80: {  	_ =	shalt  }
0x81: {  	_ =	shalt  }
0x82: {  	_ =	shalt  }
0x83: {  	_ =	shalt  }
0x84: {  	_ =	shalt  }
0x85: {  	_ =	shalt  }
0x86: {  	_ =	shalt  }
0x87: {  	_ =	shalt  }
.Lfunc_end0:
.L_simem_size_0:
called_computation.1_lowered:
.L_overlay_start_0:
0x88: {  	s2 =	sld [smem:$0x3FD9]  }
0x89: {  	s3 =	sld [smem:$0x3FFE];
	_ =	sdelay $0x1  }
0x8a: {  	s1 =	srdreg.scid  }
0x8b: {  	s0 =	sand.u32 $0x1, s1  }
0x8c: {  	s17 =	sshll.u32 s0, $0xA;
	s2 =	sadd.s32 s3, s2  }
0x8d: {  	s2 =	sadd.s32 s2, s17  }
0x8e: {  	[smem:$0x3FC0] =	sst s2  }
0x8f: {  	_ = 	snop  }
0x90: {  	s2 =	sld [smem:$0x3FD0];
	(tm) =	ssettm $0x1  }
0x91: {  	s18 =	sld [smem:$0x3FFB];
	_ =	sdelay $0x3  }
0x92: {  	_ =	strace s18  }
0x93: {  	s3 =	sld [smem:$0x3FFC];
	_ =	sdelay $0x3  }
0x94: {  	_ =	strace s3  }
0x95: {  	s3 =	sld [smem:$0x3FFD];
	_ =	sdelay $0x3  }
0x96: {  	_ =	strace s3  }
0x97: {  	_ =	strace $0x8FFFFFFF  }
0x98: {  	s19 =	sld [smem:$0x3FDB];
	_ =	sdelay $0x1  }
0x99: {  	s4 =	simm.s32 $_scs_section_size  }
0x9a: {  	s5 =	simm.s32 $_size__tile_overlayer_lowered;
	s6 =	simm.s32 $_tile_overlayer_lowered  }
0x9b: {  	s22 =	simm.s32 $0x1BFF;
	s21 =	sshll.u32 s6, $0x1;
	s3 =	sadd.s32 s4, s19  }
0x9c: {  	s7 =	simm.s32 $0x0;
	s20 =	sshll.u32 s5, $0x1;
	s5 =	sadd.s32 s21, s3  }
0x9d: {  	[timem:s7], [sflag:s22] =	dma.local [hbm:s5], s20  }
0x9e: {  	_ =	swait.ge [sflag:s22], s20  }
0x9f: {  	s4 =	ssub.s32 $0x0, s20;
	[sflag:s22] =	ssyncset.done $0x0  }
0xa0: {  	[sflag:s22] =	ssyncadd.s32 s4;
	_ =	sdelay $0x1  }
0xa1: {  	s23 =	simm.s32 $0x1B8B  }
0xa2: {  	_ =	swait.ge [sflag:s23], $0x1  }
0xa3: {  	[sflag:s23] =	ssyncset.done $0x0  }
0xa4: {  	s25 =	simm.s32 $0x1B8E;
	s24 =	sld [smem:$0x3FFE];
	[sflag:s23] =	ssyncadd.s32 $0xFFFFFFFF  }
0xa5: {  	s26 =	simm.s32 $execute0_lowered;
	[smem:$0x3FD2] =	sst s25  }
0xa6: {  	s5 =	sshll.u32 s26, $0x1;
	_ =	strace $0x80000046;
	[dreg:$0x1] =	wrdreg $0xFFFFFFFF  }
0xa7: {  	s28 =	simm.s32 $_size_execute0_lowered;
	s3 =	sadd.s32 s3, s5;
	[dreg:$0x0] =	wrdreg $0x0  }
0xa8: {  	s5 =	sshll.u32 s28, $0x1;
	[dreg:$0x2] =	wrdreg s3  }
0xa9: {  	[dreg:$0x3] =	wrdreg s5  }
0xaa: {  	[dreg:$0x4] =	wrdreg $0xC0  }
0xab: {  	_ =	task [dreg:s7], $0x5FFFF  }
0xac: {  	[dreg:$0x1] =	wrdreg $0xFFFFFFFF  }
0xad: {  	[dreg:$0x0] =	wrdreg $0x60  }
0xae: {  	[dreg:$0x2] =	wrdreg s24  }
0xaf: {  	[dreg:$0x3] =	wrdreg s2  }
0xb0: {  	[dreg:$0x4] =	wrdreg $0xA  }
0xb1: {  	_ =	task.clear_ibuf [dreg:s7], $0x5FFFF;
	_ =	strace $0x90000046  }
0xb2: {  	s29 =	simm.s32 $0xA;
	_ =	strace $0x80000048  }
0xb3: {  	_ =	swait.ge [sflag:s29], $0x1  }
0xb4: {  	[sflag:s29] =	ssyncadd.s32 $0xFFFFFFFF  }
0xb5: {  	_ =	strace $0x90000048  }
0xb6: {  	_ =	sfence  }
0xb7: {  	s30 =	sld [smem:$0x0];
	_ =	sdelay $0x2  }
0xb8: {  	s31 =	sshll.u32 s1, $0xD;
	s1 =	sshrl.u32 s1, $0x2  }
0xb9: {  	s3 =	sand.u32 $0x4000, s31;
	s1 =	sadd.s32 s1, s30  }
0xba: {  	s0 =	sor.u32 s3, s0;
	s1 =	sshll.u32 s1, $0x11  }
0xbb: {  	s0 =	sor.u32 s1, s0  }
0xbc: {  	s0 =	sadd.s32 $0x8F2B, s0  }
0xbd: {  	[sflag:s0] =	ssyncadd.remote.s32 $0x1  }
0xbe: {  	_ =	sfence.sel $0xFFFF  }
0xbf: {  	[dreg:$0x0] =	wrdreg $0xFFFFFFFF;
	(pc) =	sbr.abs _section_cstart, $3  }
0xc0: {  	[dreg:$0x1] =	wrdreg $0xFFFFFFFF  }
0xc1: {  	_ =	task.clear_ibuf [dreg:s7], $0x2FFFF;
	_ =	strace $0x9FFFFFFF  }
0xc2: {  	(tm) =	ssettm $0x7FFFFFFF  }
0xc3: {  	_ =	shalt  }
tec
execute0_lowered:
.L_overlay_start_1:
0x0: {  	(tag) =	ssettag $0x1  }
0x1: {  	s0 =	rddreg [dreg:$0x0]  }
0x2: {  	s1 =	rddreg [dreg:$0x1]  }
0x3: {  	s3 =	srdreg.scid;
	s12 =	stileid.u32  }
0x4: {  	s2 =	simm.s32 $0x0;
	s15 =	simm.s32 $0x5;
	s16 =	simm.s32 $0x80  }
0x5: {  	s17 =	simm.s32 $0xC80;
	s18 =	simm.s32 $0x4C80;
	s20 =	simm.s32 $0x8C80  }
0x6: {  	s21 =	simm.s32 $0x180;
	s22 =	simm.s32 $0xCC80;
	s23 =	simm.s32 $0x1  }
0x7: {  	s28 =	simm.s32 $0xC00;
	s29 =	simm.s32 $0x0;
	s11 =	smul.u32 $0xC8000, s12  }
0x8: {  	s7 =	sand.u32 $0x1, s3;
	s24 =	sshll.u32 s12, $0x1;
	s26 =	smul.u32 $0x1900, s12  }
0x9: {  	[smem:$0x7FF] =	sst s2;
	s3 =	sadd.s32 $0x188600, s0;
	s30 =	smul.u32 $0xC80, s7  }
0xa: {  	s0 =	sadd.s32 $0x30F000, s0;
	s4 =	sor.u32 s7, s24;
	s31 =	smul.u32 $0x64000, s7  }
0xb: {  	_ =	strace $0x80000047;
	s6 =	ssub.s32 $0x2, s7;
	s5 =	smul.u32 $0xC80, s4  }
0xc: {  	s24 =	simm.s32 $0x2;
	s8 =	smul.u32 $0x64000, s4;
	s9 =	sshrl.u32 s6, $0x1  }
0xd: {  	s10 =	smul.u32 $0xC800, s4;
	s6 =	ssub.s32 s6, s9;
	s11 =	sadd.s32 s31, s11  }
0xe: {  	s25 =	sshrl.u32 s8, $0x3;
	s5 =	sshrl.u32 s5, $0x3;
	s6 =	smax.u32 s6, $0x1  }
0xf: {  	s10 =	sadd.s32 s0, s10;
	s11 =	sshrl.u32 s11, $0x3;
	s8 =	sadd.s32 s0, s25  }
0x10: {  	s4 =	sadd.s32 s1, s5;
	s1 =	sadd.s32 s30, s26;
	s9 =	sadd.s32 $0xB000, s10  }
0x11: {  	s11 =	sadd.s32 s11, s0;
	s25 =	simm.s32 $0x3;
	s26 =	simm.s32 $0x4  }
0x12: {  	s5 =	sadd.s32 $0xC000, s8;
	s7 =	sadd.s32 $0xA000, s8;
	s1 =	sshll.u32 s1, $0x4  }
0x13: {  	s8 =	sadd.s32 $0xA800, s10;
	s10 =	sadd.s32 $0xB800, s10;
	s1 =	sadd.s32 s0, s1  }
0x14: {  	s12 =	sadd.s32 $0x1800, s1;
	s13 =	sadd.s32 $0x1000, s1;
	s14 =	sadd.s32 $0x800, s1  }
.LBB2_1:
0x15: {  	[tilespmem:s2], [sflag:$0x5] =	stream.linear.gather [hbm4b:s4+s2], $0xC80, $0x38;
	[tilespmem:$0x10C80] =	vst v63  }
0x16: {  	_ =	swait.ge [sflag:s15], $0xC80  }
0x17: {  	[sflag:s15] =	ssyncset.done $0x0  }
0x18: {  	[sflag:s15] =	ssyncadd.s32 $0xFFFFF380  }
0x19: {  	[tilespmem:s17], [sflag:$0x1] =	stream.indirect.gather [hbm4b:s3+s16], $0x80, s2, s16, $0xb8;
	[tilespmem:$0x10C80] =	vst v63  }
0x1a: {  	_ = 	snop  }
0x1b: {  	[tilespmem:s18], [sflag:$0x2] =	stream.indirect.gather [hbm4b:s3+s16], $0x80, s16, s16, $0xb8;
	[tilespmem:$0x10C80] =	vst v63  }
0x1c: {  	s0 =	simm.s32 $0x100  }
0x1d: {  	[tilespmem:s20], [sflag:$0x3] =	stream.indirect.gather [hbm4b:s3+s16], $0x80, s0, s16, $0xb8;
	[tilespmem:$0x10C80] =	vst v63  }
0x1e: {  	_ = 	snop  }
0x1f: {  	[tilespmem:s22], [sflag:$0x4] =	stream.indirect.gather [hbm4b:s3+s16], $0x80, s21, s16, $0xb8;
	[tilespmem:$0x10C80] =	vst v63  }
0x20: {  	_ =	swait.ge [sflag:s23], $0x4000  }
0x21: {  	[sflag:s23] =	ssyncset.done $0x0  }
0x22: {  	s19 =	sadd.s32 $0x0, s11;
	[sflag:s23] =	ssyncadd.s32 $0xFFFFC000  }
0x23: {  	[hbm4b:s19+s2] =	stream.linear.scatter [tilespmem:s17], [sflag:$0x5], $0x4000, $0x38;
	[tilespmem:$0x10C80] =	vst v63  }
0x24: {  	_ =	swait.ge [sflag:s15], $0x4000  }
0x25: {  	[sflag:s15] =	ssyncset.done $0x0  }
0x26: {  	s1 =	simm.s32 $0x200;
	[sflag:s15] =	ssyncadd.s32 $0xFFFFC000  }
0x27: {  	[tilespmem:s17], [sflag:$0x1] =	stream.indirect.gather [hbm4b:s3+s16], $0x80, s1, s16, $0xb8;
	[tilespmem:$0x10C80] =	vst v63  }
0x28: {  	_ =	swait.ge [sflag:s24], $0x4000  }
0x29: {  	[sflag:s24] =	ssyncset.done $0x0  }
0x2a: {  	s19 =	sadd.s32 $0x0, s14;
	[sflag:s24] =	ssyncadd.s32 $0xFFFFC000  }
0x2b: {  	[hbm4b:s19+s2] =	stream.linear.scatter [tilespmem:s18], [sflag:$0x5], $0x4000, $0x38;
	[tilespmem:$0x10C80] =	vst v63  }
0x2c: {  	_ =	swait.ge [sflag:s15], $0x4000  }
0x2d: {  	[sflag:s15] =	ssyncset.done $0x0  }
0x2e: {  	s1 =	simm.s32 $0x280;
	[sflag:s15] =	ssyncadd.s32 $0xFFFFC000  }
0x2f: {  	[tilespmem:s18], [sflag:$0x2] =	stream.indirect.gather [hbm4b:s3+s16], $0x80, s1, s16, $0xb8;
	[tilespmem:$0x10C80] =	vst v63  }
0x30: {  	_ =	swait.ge [sflag:s25], $0x4000  }
0x31: {  	[sflag:s25] =	ssyncset.done $0x0  }
0x32: {  	s19 =	sadd.s32 $0x0, s13;
	[sflag:s25] =	ssyncadd.s32 $0xFFFFC000  }
0x33: {  	[hbm4b:s19+s2] =	stream.linear.scatter [tilespmem:s20], [sflag:$0x5], $0x4000, $0x38;
	[tilespmem:$0x10C80] =	vst v63  }
0x34: {  	_ =	swait.ge [sflag:s15], $0x4000  }
0x35: {  	[sflag:s15] =	ssyncset.done $0x0  }
0x36: {  	s1 =	simm.s32 $0x300;
	[sflag:s15] =	ssyncadd.s32 $0xFFFFC000  }
0x37: {  	[tilespmem:s20], [sflag:$0x3] =	stream.indirect.gather [hbm4b:s3+s16], $0x80, s1, s16, $0xb8;
	[tilespmem:$0x10C80] =	vst v63  }
0x38: {  	_ =	swait.ge [sflag:s26], $0x4000  }
0x39: {  	[sflag:s26] =	ssyncset.done $0x0  }
0x3a: {  	s19 =	sadd.s32 $0x0, s12;
	[sflag:s26] =	ssyncadd.s32 $0xFFFFC000  }
0x3b: {  	[hbm4b:s19+s2] =	stream.linear.scatter [tilespmem:s22], [sflag:$0x5], $0x4000, $0x38;
	[tilespmem:$0x10C80] =	vst v63  }
0x3c: {  	_ =	swait.ge [sflag:s15], $0x4000  }
0x3d: {  	s30 =	simm.s32 $0x380;
	[sflag:s15] =	ssyncset.done $0x0  }
0x3e: {  	s31 =	simm.s32 $0x2000;
	s0 =	simm.s32 $0x580;
	[sflag:s15] =	ssyncadd.s32 $0xFFFFC000  }
.LBB2_2:
0x3f: {  	[tilespmem:s22], [sflag:$0x4] =	stream.indirect.gather [hbm4b:s3+s16], $0x80, s30, s16, $0xb8;
	[tilespmem:$0x10C80] =	vst v63  }
0x40: {  	s1 =	smov.u32 s31;
	s30 =	smov.u32 s0  }
0x41: {  	p0 =	sne.s32 s31, $0x8000;
	s31 =	sadd.s32 $0x2000, s31;
	_ =	swait.ge [sflag:s23], $0x4000  }
0x42: {  	[sflag:s23] =	ssyncset.done $0x0  }
0x43: {  	s19 =	sadd.s32 s1, s11;
	[sflag:s23] =	ssyncadd.s32 $0xFFFFC000  }
0x44: {  	[hbm4b:s19+s2] =	stream.linear.scatter [tilespmem:s17], [sflag:$0x5], $0x4000, $0x38;
	[tilespmem:$0x10C80] =	vst v63  }
0x45: {  	_ =	swait.ge [sflag:s15], $0x4000  }
0x46: {  	[sflag:s15] =	ssyncset.done $0x0  }
0x47: {  	s19 =	sadd.s32 $0xFFFFFE80, s0;
	[sflag:s15] =	ssyncadd.s32 $0xFFFFC000  }
0x48: {  	[tilespmem:s17], [sflag:$0x1] =	stream.indirect.gather [hbm4b:s3+s16], $0x80, s19, s16, $0xb8;
	[tilespmem:$0x10C80] =	vst v63  }
0x49: {  	_ =	swait.ge [sflag:s24], $0x4000  }
0x4a: {  	[sflag:s24] =	ssyncset.done $0x0  }
0x4b: {  	s19 =	sadd.s32 s1, s14;
	[sflag:s24] =	ssyncadd.s32 $0xFFFFC000  }
0x4c: {  	[hbm4b:s19+s2] =	stream.linear.scatter [tilespmem:s18], [sflag:$0x5], $0x4000, $0x38;
	[tilespmem:$0x10C80] =	vst v63  }
0x4d: {  	_ =	swait.ge [sflag:s15], $0x4000  }
0x4e: {  	[sflag:s15] =	ssyncset.done $0x0  }
0x4f: {  	s19 =	sadd.s32 $0xFFFFFF00, s0;
	[sflag:s15] =	ssyncadd.s32 $0xFFFFC000  }
0x50: {  	[tilespmem:s18], [sflag:$0x2] =	stream.indirect.gather [hbm4b:s3+s16], $0x80, s19, s16, $0xb8;
	[tilespmem:$0x10C80] =	vst v63  }
0x51: {  	_ =	swait.ge [sflag:s25], $0x4000  }
0x52: {  	[sflag:s25] =	ssyncset.done $0x0  }
0x53: {  	s19 =	sadd.s32 s1, s13;
	[sflag:s25] =	ssyncadd.s32 $0xFFFFC000  }
0x54: {  	[hbm4b:s19+s2] =	stream.linear.scatter [tilespmem:s20], [sflag:$0x5], $0x4000, $0x38;
	[tilespmem:$0x10C80] =	vst v63  }
0x55: {  	_ =	swait.ge [sflag:s15], $0x4000  }
0x56: {  	[sflag:s15] =	ssyncset.done $0x0  }
0x57: {  	s19 =	sadd.s32 $0xFFFFFF80, s0;
	[sflag:s15] =	ssyncadd.s32 $0xFFFFC000  }
0x58: {  	[tilespmem:s20], [sflag:$0x3] =	stream.indirect.gather [hbm4b:s3+s16], $0x80, s19, s16, $0xb8;
	[tilespmem:$0x10C80] =	vst v63  }
0x59: {  	_ =	swait.ge [sflag:s26], $0x4000  }
0x5a: {  	[sflag:s26] =	ssyncset.done $0x0  }
.Ltmp0:
0x5b: {  	s1 =	sadd.s32 s1, s12;
	[sflag:s26] =	ssyncadd.s32 $0xFFFFC000;
	(pc) =	sbr.rel @p0 .LBB2_2-.Ltmp0, $4  }
0x5c: {  	[hbm4b:s1+s2] =	stream.linear.scatter [tilespmem:s22], [sflag:$0x5], $0x4000, $0x38;
	[tilespmem:$0x10C80] =	vst v63  }
0x5d: {  	_ =	swait.ge [sflag:s15], $0x4000  }
0x5e: {  	[sflag:s15] =	ssyncset.done $0x0  }
0x5f: {  	s0 =	sadd.s32 $0x200, s0;
	[sflag:s15] =	ssyncadd.s32 $0xFFFFC000  }
0x60: {  	[tilespmem:s22], [sflag:$0x4] =	stream.indirect.gather [hbm4b:s3+s16], $0x80, s30, s16, $0xb8;
	[tilespmem:$0x10C80] =	vst v63  }
0x61: {  	_ =	swait.ge [sflag:s23], $0x4000  }
0x62: {  	[sflag:s23] =	ssyncset.done $0x0  }
0x63: {  	[sflag:s23] =	ssyncadd.s32 $0xFFFFC000  }
0x64: {  	[hbm4b:s7+s2] =	stream.linear.scatter [tilespmem:s17], [sflag:$0x5], $0x4000, $0x38;
	[tilespmem:$0x10C80] =	vst v63  }
0x65: {  	_ =	swait.ge [sflag:s15], $0x4000  }
0x66: {  	[sflag:s15] =	ssyncset.done $0x0  }
0x67: {  	[sflag:s15] =	ssyncadd.s32 $0xFFFFC000  }
0x68: {  	[tilespmem:s17], [sflag:$0x1] =	stream.indirect.gather [hbm4b:s3+s16], $0x80, s28, s16, $0xb8;
	[tilespmem:$0x10C80] =	vst v63  }
0x69: {  	_ =	swait.ge [sflag:s24], $0x4000  }
0x6a: {  	[sflag:s24] =	ssyncset.done $0x0  }
0x6b: {  	[sflag:s24] =	ssyncadd.s32 $0xFFFFC000  }
0x6c: {  	[hbm4b:s8+s2] =	stream.linear.scatter [tilespmem:s18], [sflag:$0x5], $0x4000, $0x38;
	[tilespmem:$0x10C80] =	vst v63  }
0x6d: {  	_ =	swait.ge [sflag:s15], $0x4000  }
0x6e: {  	[sflag:s15] =	ssyncset.done $0x0  }
0x6f: {  	[sflag:s15] =	ssyncadd.s32 $0xFFFFC000  }
0x70: {  	_ =	swait.ge [sflag:s25], $0x4000  }
0x71: {  	[sflag:s25] =	ssyncset.done $0x0  }
0x72: {  	[sflag:s25] =	ssyncadd.s32 $0xFFFFC000  }
0x73: {  	[hbm4b:s9+s2] =	stream.linear.scatter [tilespmem:s20], [sflag:$0x5], $0x4000, $0x38;
	[tilespmem:$0x10C80] =	vst v63  }
0x74: {  	_ =	swait.ge [sflag:s15], $0x4000  }
0x75: {  	[sflag:s15] =	ssyncset.done $0x0  }
0x76: {  	[sflag:s15] =	ssyncadd.s32 $0xFFFFC000  }
0x77: {  	_ =	swait.ge [sflag:s26], $0x4000  }
0x78: {  	[sflag:s26] =	ssyncset.done $0x0  }
0x79: {  	[sflag:s26] =	ssyncadd.s32 $0xFFFFC000  }
0x7a: {  	[hbm4b:s10+s2] =	stream.linear.scatter [tilespmem:s22], [sflag:$0x5], $0x4000, $0x38;
	[tilespmem:$0x10C80] =	vst v63  }
0x7b: {  	_ =	swait.ge [sflag:s15], $0x4000  }
0x7c: {  	[sflag:s15] =	ssyncset.done $0x0  }
0x7d: {  	[sflag:s15] =	ssyncadd.s32 $0xFFFFC000  }
0x7e: {  	s29 =	sadd.s32 $0x1, s29;
	_ =	swait.ge [sflag:s23], $0x4000  }
0x7f: {  	p0 =	sne.s32 s29, s6;
	[sflag:s23] =	ssyncset.done $0x0  }
.Ltmp1:
0x80: {  	[sflag:s23] =	ssyncadd.s32 $0xFFFFC000;
	(pc) =	sbr.rel @p0 .LBB2_1-.Ltmp1, $4  }
0x81: {  	[hbm4b:s5+s2] =	stream.linear.scatter [tilespmem:s17], [sflag:$0x5], $0x4000, $0x38;
	[tilespmem:$0x10C80] =	vst v63  }
0x82: {  	_ =	swait.ge [sflag:s15], $0x4000  }
0x83: {  	[sflag:s15] =	ssyncset.done $0x0  }
0x84: {  	[sflag:s15] =	ssyncadd.s32 $0xFFFFC000  }
0x85: {  	_ =	sfence.sel $0x180000  }
0x86: {  	[bflag:$0x0] =	sbarrier.arrive $0xFFFF  }
0x87: {  	_ =	strace $0x90000047  }
0x88: {  	s0 =	stileid.u32;
	[bflag:$0x2] =	sbarrier.arrive $0xFFFF  }
0x89: {  	p0 =	sne.s32 s0, $0x0;
	s0 =	rddreg [dreg:$0x2]  }
0x8a: {  	s0 =	sadd.s32 @!p0 $0x100000, s0  }
0x8b: {  	[sflag:s0] =	ssyncadd.tile.s32 @!p0 $0x1;
	_ =	shalt  }
.Lfunc_end2:
_tile_overlayer_lowered:
.L_overlay_start_2:
0x8c: {  	(tag) =	ssettag $0x2  }
0x8d: {  	s0 =	rddreg [dreg:$0x0];
	s2 =	stileid.u32  }
0x8e: {  	s1 =	rddreg [dreg:$0x1];
	p0 =	sne.s32 s2, $0x0  }
0x8f: {  	s3 =	rddreg [dreg:$0x2];
	[bflag:$0x3] =	sbarrier.arrive $0xFFFF;
	s2 =	simm.s32 @!p0 $0x1C05  }
0x90: {  	[timem:s3], [sflag:s2] =	dma.local @!p0 [hbm:s0], s1  }
0x91: {  	s0 =	simm.s32 @!p0 $0x5  }
0x92: {  	_ =	swait.ge @!p0 [sflag:s0], s1  }
0x93: {  	s1 =	ssub.s32 @!p0 $0x0, s1;
	[sflag:s0] =	ssyncset.done @!p0 $0x0  }
0x94: {  	[sflag:s0] =	ssyncadd.s32 @!p0 s1  }
0x95: {  	[bflag:$0x3] =	sbarrier.arrive $0xFFFF  }
0x96: {  	_ =	shalt  }

</sc_bundles>
